<compile_context>
chip_gen: v7x
topology: tpu7x:2x2x1
jax: 0.10.2.dev20260603
libtpu: 0.0.44.dev20260713+nightly
codegen_flags: <defaults>
</compile_context>

<pallas_src>
import functools

import jax
import jax.numpy as jnp
from jax import lax
from jax.experimental import pallas as pl
from jax.experimental.pallas import tpu as pltpu
from jax.experimental.pallas import tpu_sc as plsc

NC = 2
NS = 16
NW = NC * NS
LANES = 16
CHUNK = 128
DEG_W = 16


def _fill2d(ref, rows, cols, value):
    val = jnp.full((1, LANES), value, jnp.float32)

    @pl.loop(0, rows)
    def _(i):
        @pl.loop(0, cols, step=LANES)
        def _(k):
            ref.at[pl.ds(i, 1), pl.ds(k, LANES)][...] = val


def _zero_shared_slice(zbuf, shared, base, rows):
    zrows = zbuf.shape[0]

    @pl.loop(0, rows, step=zrows)
    def _(r):
        pltpu.sync_copy(zbuf, shared.at[pl.ds(base + r, zrows)])


def _deg_kernel_body(row_hbm, deg_hbm, idx_v, ones_v, zbuf, deg_sh, sem,
                     n_pad, cpt):
    c = lax.axis_index("c")
    s = lax.axis_index("s")
    rpt = n_pad // NS
    base = s * rpt
    _fill2d(ones_v, CHUNK, DEG_W, 1.0)
    _fill2d(zbuf, zbuf.shape[0], DEG_W, 0.0)
    _zero_shared_slice(zbuf, deg_sh, base, rpt)
    pltpu.sync_copy(row_hbm.at[c, s], idx_v)
    plsc.subcore_barrier()

    @pl.loop(0, cpt)
    def _(j):
        pltpu.async_copy(ones_v, deg_sh.at[idx_v.at[j]], sem, add=True)

    @pl.loop(0, cpt)
    def _(j):
        pltpu.make_async_copy(ones_v, deg_sh.at[idx_v.at[j]], sem).wait()

    plsc.subcore_barrier()
    pltpu.sync_copy(deg_sh.at[pl.ds(base, rpt)],
                    deg_hbm.at[c, pl.ds(base, rpt)])


def _agg_kernel_body(row_hbm, col_hbm, y_hbm, acc_hbm, idx_r, idx_c, buf0,
                     buf1, zbuf, acc_sh, sem0, sem1, n_pad, d, cpt):
    c = lax.axis_index("c")
    s = lax.axis_index("s")
    rpt = n_pad // NS
    base = s * rpt
    ph = cpt // 2
    _fill2d(zbuf, zbuf.shape[0], d, 0.0)
    _zero_shared_slice(zbuf, acc_sh, base, rpt)
    plsc.subcore_barrier()

    for p in range(2):
        off = p * ph
        pltpu.sync_copy(row_hbm.at[c, s, pl.ds(off, ph)], idx_r)
        pltpu.sync_copy(col_hbm.at[c, s, pl.ds(off, ph)], idx_c)
        pltpu.async_copy(y_hbm.at[idx_r.at[0]], buf0, sem0)
        pltpu.async_copy(y_hbm.at[idx_r.at[1]], buf1, sem1)

        @pl.loop(0, ph - 2, step=2)
        def _(j):
            pltpu.make_async_copy(y_hbm.at[idx_r.at[j]], buf0, sem0).wait()
            pltpu.sync_copy(buf0, acc_sh.at[idx_c.at[j]], add=True)
            pltpu.async_copy(y_hbm.at[idx_r.at[j + 2]], buf0, sem0)
            pltpu.make_async_copy(y_hbm.at[idx_r.at[j + 1]], buf1,
                                  sem1).wait()
            pltpu.sync_copy(buf1, acc_sh.at[idx_c.at[j + 1]], add=True)
            pltpu.async_copy(y_hbm.at[idx_r.at[j + 3]], buf1, sem1)

        pltpu.make_async_copy(y_hbm.at[idx_r.at[ph - 2]], buf0, sem0).wait()
        pltpu.sync_copy(buf0, acc_sh.at[idx_c.at[ph - 2]], add=True)
        pltpu.make_async_copy(y_hbm.at[idx_r.at[ph - 1]], buf1, sem1).wait()
        pltpu.sync_copy(buf1, acc_sh.at[idx_c.at[ph - 1]], add=True)

    plsc.subcore_barrier()
    pltpu.sync_copy(acc_sh.at[pl.ds(base, rpt)],
                    acc_hbm.at[c, pl.ds(base, rpt)])


def _matmul_scale_body(x_ref, w_ref, d0_ref, d1_ref, y_ref):
    deg = d0_ref[:, 0:1] + d1_ref[:, 0:1] + 1.0
    xw = jnp.dot(x_ref[...], w_ref[...], preferred_element_type=jnp.float32)
    y_ref[...] = xw * lax.rsqrt(deg)


def _epilogue_body(a0_ref, a1_ref, y_ref, d0_ref, d1_ref, b_ref, o_ref):
    deg = d0_ref[:, 0:1] + d1_ref[:, 0:1] + 1.0
    dinv = lax.rsqrt(deg)
    o_ref[...] = dinv * (a0_ref[...] + a1_ref[...] + y_ref[...]) + b_ref[...]


def kernel(x, edge_index, W, b):
    n, d_in = x.shape
    d = W.shape[1]
    e = edge_index.shape[1]

    n_pad = ((n + 1 + 1023) // 1024) * 1024
    cpt = -(-e // (NW * CHUNK))
    cpt += cpt % 2
    e_pad = NW * cpt * CHUNK

    ei = edge_index.astype(jnp.int32)
    pad_tgt = n + jnp.arange(e_pad - e, dtype=jnp.int32) % (n_pad - n)
    row = jnp.concatenate([ei[0], pad_tgt])
    col = jnp.concatenate([ei[1], pad_tgt])
    row_t = row.reshape(cpt, NC, NS, CHUNK).transpose(1, 2, 0, 3)
    col_t = col.reshape(cpt, NC, NS, CHUNK).transpose(1, 2, 0, 3)
    x_pad = jnp.pad(x, ((0, n_pad - n), (0, 0)))

    mesh = plsc.VectorSubcoreMesh(core_axis_name="c", subcore_axis_name="s")

    deg_fn = pl.kernel(
        functools.partial(_deg_kernel_body, n_pad=n_pad, cpt=cpt),
        out_type=jax.ShapeDtypeStruct((NC, n_pad, DEG_W), jnp.float32),
        mesh=mesh,
        scratch_types=[
            pltpu.VMEM((cpt, CHUNK), jnp.int32),
            pltpu.VMEM((CHUNK, DEG_W), jnp.float32),
            pltpu.VMEM((64, DEG_W), jnp.float32),
            pltpu.VMEM_SHARED((n_pad, DEG_W), jnp.float32),
            pltpu.SemaphoreType.DMA,
        ],
    )
    deg = deg_fn(row_t)

    bm = 512
    grid = (n_pad // bm,)
    y = pl.pallas_call(
        _matmul_scale_body,
        grid=grid,
        in_specs=[
            pl.BlockSpec((bm, d_in), lambda i: (i, 0)),
            pl.BlockSpec((d_in, d), lambda i: (0, 0)),
            pl.BlockSpec((bm, DEG_W), lambda i: (i, 0)),
            pl.BlockSpec((bm, DEG_W), lambda i: (i, 0)),
        ],
        out_specs=pl.BlockSpec((bm, d), lambda i: (i, 0)),
        out_shape=jax.ShapeDtypeStruct((n_pad, d), jnp.float32),
    )(x_pad, W, deg[0], deg[1])

    agg_fn = pl.kernel(
        functools.partial(_agg_kernel_body, n_pad=n_pad, d=d, cpt=cpt),
        out_type=jax.ShapeDtypeStruct((NC, n_pad, d), jnp.float32),
        mesh=mesh,
        scratch_types=[
            pltpu.VMEM((cpt // 2, CHUNK), jnp.int32),
            pltpu.VMEM((cpt // 2, CHUNK), jnp.int32),
            pltpu.VMEM((CHUNK, d), jnp.float32),
            pltpu.VMEM((CHUNK, d), jnp.float32),
            pltpu.VMEM((32, d), jnp.float32),
            pltpu.VMEM_SHARED((n_pad, d), jnp.float32),
            pltpu.SemaphoreType.DMA,
            pltpu.SemaphoreType.DMA,
        ],
    )
    acc = agg_fn(row_t, col_t, y)

    out = pl.pallas_call(
        _epilogue_body,
        grid=grid,
        in_specs=[
            pl.BlockSpec((bm, d), lambda i: (i, 0)),
            pl.BlockSpec((bm, d), lambda i: (i, 0)),
            pl.BlockSpec((bm, d), lambda i: (i, 0)),
            pl.BlockSpec((bm, DEG_W), lambda i: (i, 0)),
            pl.BlockSpec((bm, DEG_W), lambda i: (i, 0)),
            pl.BlockSpec((1, d), lambda i: (0, 0)),
        ],
        out_specs=pl.BlockSpec((bm, d), lambda i: (i, 0)),
        out_shape=jax.ShapeDtypeStruct((n_pad, d), jnp.float32),
    )(acc[0], acc[1], y, deg[0], deg[1], b.reshape(1, d))

    return out[:n]

# --- scband reference (transcript-rebuilt; emitter-appended) ---
"""Pipeline reference for scband-gcn-74045236183290 (READ-ONLY COPY).

The authoritative reference and input builder live on the scoring server;
editing this copy changes nothing except your own understanding.
"""

import jax, jax.numpy as jnp
import numpy as np

N_NODES = 10000
N_EDGES = 320000
D_IN = 128
D_OUT = 128

def setup_inputs(seed: int = 0) -> dict:
    key = jax.random.key(seed)
    k_x, k_ei, k_w = jax.random.split(key, 3)
    x = jax.random.normal(k_x, (N_NODES, D_IN), dtype=jnp.float32)
    edge_index = jax.random.randint(k_ei, (2, N_EDGES), 0, N_NODES, dtype=jnp.int64)
    # xavier_uniform init for weight
    limit = float(np.sqrt(6.0 / (D_IN + D_OUT)))
    W = jax.random.uniform(k_w, (D_IN, D_OUT), dtype=jnp.float32, minval=-limit, maxval=limit)
    b = jnp.zeros((D_OUT,), dtype=jnp.float32)
    return {"x": x, "edge_index": edge_index, "W": W, "b": b}

def reference(x, edge_index, W, b):
    N = x.shape[0]
    # add self loops
    loop = jnp.arange(N, dtype=edge_index.dtype)
    ei = jnp.concatenate([edge_index, jnp.stack([loop, loop], axis=0)], axis=1)
    row, col = ei[0], ei[1]
    # degree of row (source) nodes
    deg = jnp.zeros((N,), dtype=x.dtype).at[row].add(1.0)
    deg_inv_sqrt = jnp.power(deg, -0.5)
    deg_inv_sqrt = jnp.where(jnp.isinf(deg_inv_sqrt), 0.0, deg_inv_sqrt)
    norm = deg_inv_sqrt[row] * deg_inv_sqrt[col]
    xw = jnp.matmul(x, W)
    msgs = xw[row] * norm[:, None]
    out = jnp.zeros_like(xw).at[col].add(msgs)
    out = out + b
    return out

if __name__ == "__main__":
    import jax
    _d = setup_inputs()
    print(jax.jit(kernel)(*tuple(_d.values())))

</pallas_src>

<mosaic_0001>
#map = affine_map<(d0, d1) -> (0, 0, 0, 0)>
#map1 = affine_map<(d0, d1) -> (0, 0, 0)>
module attributes {stable_mosaic.version = 14 : i64} {
  func.func @_deg_kernel_body(%arg0: i32, %arg1: i32, %arg2: memref<2x16x80x128xi32, #tpu.memory_space<hbm>>, %arg3: memref<2x10240x16xf32, #tpu.memory_space<hbm>>, %arg4: memref<80x128xi32, #tpu.memory_space<vmem>>, %arg5: memref<128x16xf32, #tpu.memory_space<vmem>>, %arg6: memref<64x16xf32, #tpu.memory_space<vmem>>, %arg7: memref<10240x16xf32, #tpu.memory_space<vmem_shared>>, %arg8: memref<!tpu.dma_semaphore, #tpu.memory_space<semaphore_mem>>) attributes {dimension_semantics = [#tpu.dimension_semantics<core_parallel>, #tpu.dimension_semantics<subcore_parallel>], iteration_bounds = array<i64: 2, 16>, scalar_prefetch = 0 : i64, scratch_operands = 5 : i64, tpu.core_type = #tpu.core_type<sc_vector_subcore>, window_params = [{transform_indices = #map}, {transform_indices = #map1}]} {
    %mul3A = arith.constant 640 : i32
    %mul3A_0 = arith.muli %arg1, %mul3A : i32
    %broadcast_in_dim3A = arith.constant 1.000000e+00 : f32
    %broadcast_in_dim3A_1 = vector.broadcast %broadcast_in_dim3A : f32 to vector<1x16xf32>
    %scan3A = arith.constant 0 : i32
    %scan3A_2 = arith.constant 128 : i32
    %scan3A_3 = arith.addi %scan3A, %scan3A_2 : i32
    %scan3A_4 = arith.constant 1 : i32
    scf.for %scan3A_29 = %scan3A to %scan3A_3 step %scan3A_4  : i32 {
      %mul3A_30 = arith.constant 1 : i32
      %mul3A_31 = arith.muli %scan3A_29, %mul3A_30 : i32
      %add3A = arith.constant 0 : i32
      %add3A_32 = arith.addi %add3A, %mul3A_31 : i32
      %scan3A_33 = arith.constant 0 : i32
      %mul3A_34 = arith.constant 16 : i32
      %mul3A_35 = arith.muli %scan3A_33, %mul3A_34 : i32
      %add3A_36 = arith.constant 0 : i32
      %add3A_37 = arith.addi %add3A_36, %mul3A_35 : i32
      %swap3A = arith.index_cast %add3A_32 : i32 to index
      %swap3A_38 = arith.index_cast %add3A_37 : i32 to index
      %swap3A_39 = tpu.vector_load %arg5[%swap3A, %swap3A_38] {strides = array<i32>} : memref<128x16xf32, #tpu.memory_space<vmem>>, vector<1x16xf32>,
      %swap3A_40 = vector.shape_cast %swap3A_39 : vector<1x16xf32> to vector<1x16xf32>
      %swap3A_41 = vector.shape_cast %broadcast_in_dim3A_1 : vector<1x16xf32> to vector<1x16xf32>
      tpu.vector_store %arg5[%swap3A, %swap3A_38], %swap3A_41 {strides = array<i32>} : memref<128x16xf32, #tpu.memory_space<vmem>>, vector<1x16xf32>,
      %scan3A_42 = arith.constant 1 : i32
    }
    %scan3A_5 = arith.constant 128 : i32
    %broadcast_in_dim3A_6 = arith.constant 0.000000e+00 : f32
    %broadcast_in_dim3A_7 = vector.broadcast %broadcast_in_dim3A_6 : f32 to vector<1x16xf32>
    %scan3A_8 = arith.constant 0 : i32
    %scan3A_9 = arith.constant 64 : i32
    %scan3A_10 = arith.addi %scan3A_8, %scan3A_9 : i32
    %scan3A_11 = arith.constant 1 : i32
    scf.for %scan3A_29 = %scan3A_8 to %scan3A_10 step %scan3A_11  : i32 {
      %mul3A_30 = arith.constant 1 : i32
      %mul3A_31 = arith.muli %scan3A_29, %mul3A_30 : i32
      %add3A = arith.constant 0 : i32
      %add3A_32 = arith.addi %add3A, %mul3A_31 : i32
      %scan3A_33 = arith.constant 0 : i32
      %mul3A_34 = arith.constant 16 : i32
      %mul3A_35 = arith.muli %scan3A_33, %mul3A_34 : i32
      %add3A_36 = arith.constant 0 : i32
      %add3A_37 = arith.addi %add3A_36, %mul3A_35 : i32
      %swap3A = arith.index_cast %add3A_32 : i32 to index
      %swap3A_38 = arith.index_cast %add3A_37 : i32 to index
      %swap3A_39 = tpu.vector_load %arg6[%swap3A, %swap3A_38] {strides = array<i32>} : memref<64x16xf32, #tpu.memory_space<vmem>>, vector<1x16xf32>,
      %swap3A_40 = vector.shape_cast %swap3A_39 : vector<1x16xf32> to vector<1x16xf32>
      %swap3A_41 = vector.shape_cast %broadcast_in_dim3A_7 : vector<1x16xf32> to vector<1x16xf32>
      tpu.vector_store %arg6[%swap3A, %swap3A_38], %swap3A_41 {strides = array<i32>} : memref<64x16xf32, #tpu.memory_space<vmem>>, vector<1x16xf32>,
      %scan3A_42 = arith.constant 1 : i32
    }
    %scan3A_12 = arith.constant 64 : i32
    %scan3A_13 = arith.constant 0 : i32
    %scan3A_14 = arith.constant 10 : i32
    %scan3A_15 = arith.addi %scan3A_13, %scan3A_14 : i32
    %scan3A_16 = arith.constant 1 : i32
    scf.for %scan3A_29 = %scan3A_13 to %scan3A_15 step %scan3A_16  : i32 {
      %mul3A_30 = arith.constant 64 : i32
      %mul3A_31 = arith.muli %scan3A_29, %mul3A_30 : i32
      %add3A = arith.constant 0 : i32
      %add3A_32 = arith.addi %add3A, %mul3A_31 : i32
      %add3A_33 = arith.addi %mul3A_0, %add3A_32 : i32
      "tpu.region"() ({
        %run_scoped3A = tpu.sem_alloc : memref<!tpu.dma_semaphore, #tpu.memory_space<semaphore_mem>>
        %dma_start3A = arith.constant 0 : i32
        %dma_start3A_34 = tpu.memref_slice %arg7[%add3A_33, %dma_start3A] : memref<10240x16xf32, #tpu.memory_space<vmem_shared>> -> memref<64x16xf32, #tpu.memory_space<vmem_shared>>
        %dma_start3A_35 = arith.constant 0 : i32
        %dma_start3A_36 = tpu.memref_slice %arg7[%add3A_33, %dma_start3A_35] : memref<10240x16xf32, #tpu.memory_space<vmem_shared>> -> memref<64x16xf32, #tpu.memory_space<vmem_shared>>
        tpu.enqueue_dma source(%arg6 : memref<64x16xf32, #tpu.memory_space<vmem>>) target(%dma_start3A_36 : memref<64x16xf32, #tpu.memory_space<vmem_shared>>) target_semaphore(%run_scoped3A : memref<!tpu.dma_semaphore, #tpu.memory_space<semaphore_mem>>)
        %dma_wait3A = arith.constant 0 : i32
        %dma_wait3A_37 = tpu.memref_slice %arg7[%add3A_33, %dma_wait3A] : memref<10240x16xf32, #tpu.memory_space<vmem_shared>> -> memref<64x16xf32, #tpu.memory_space<vmem_shared>>
        %dma_wait3A_38 = arith.constant 0 : i32
        %dma_wait3A_39 = tpu.memref_slice %arg7[%add3A_33, %dma_wait3A_38] : memref<10240x16xf32, #tpu.memory_space<vmem_shared>> -> memref<64x16xf32, #tpu.memory_space<vmem_shared>>
        tpu.wait_dma2 semaphore(%run_scoped3A : memref<!tpu.dma_semaphore, #tpu.memory_space<semaphore_mem>>) src(%arg6 : memref<64x16xf32, #tpu.memory_space<vmem>>) dst(%dma_wait3A_39 : memref<64x16xf32, #tpu.memory_space<vmem_shared>>)
        tpu.yield
      }) : () -> ()
    }
    %scan3A_17 = arith.constant 10 : i32
    "tpu.region"() ({
      %run_scoped3A = tpu.sem_alloc : memref<!tpu.dma_semaphore, #tpu.memory_space<semaphore_mem>>
      %dma_start3A = arith.constant 0 : i32
      %dma_start3A_29 = arith.constant 0 : i32
      %dma_start3A_30 = tpu.memref_slice %arg2[%arg0, %arg1, %dma_start3A, %dma_start3A_29] : memref<2x16x80x128xi32, #tpu.memory_space<hbm>> -> memref<1x1x80x128xi32, #tpu.memory_space<hbm>>
      %dma_start3A_31 = tpu.memref_squeeze %dma_start3A_30 : memref<1x1x80x128xi32, #tpu.memory_space<hbm>> -> memref<80x128xi32, #tpu.memory_space<hbm>>
      %dma_start3A_32 = arith.constant 0 : i32
      %dma_start3A_33 = arith.constant 0 : i32
      %dma_start3A_34 = tpu.memref_slice %arg2[%arg0, %arg1, %dma_start3A_32, %dma_start3A_33] : memref<2x16x80x128xi32, #tpu.memory_space<hbm>> -> memref<1x1x80x128xi32, #tpu.memory_space<hbm>>
      %dma_start3A_35 = tpu.memref_squeeze %dma_start3A_34 : memref<1x1x80x128xi32, #tpu.memory_space<hbm>> -> memref<80x128xi32, #tpu.memory_space<hbm>>
      tpu.enqueue_dma source(%dma_start3A_35 : memref<80x128xi32, #tpu.memory_space<hbm>>) target(%arg4 : memref<80x128xi32, #tpu.memory_space<vmem>>) target_semaphore(%run_scoped3A : memref<!tpu.dma_semaphore, #tpu.memory_space<semaphore_mem>>)
      %dma_wait3A = arith.constant 0 : i32
      %dma_wait3A_36 = arith.constant 0 : i32
      %dma_wait3A_37 = tpu.memref_slice %arg2[%arg0, %arg1, %dma_wait3A, %dma_wait3A_36] : memref<2x16x80x128xi32, #tpu.memory_space<hbm>> -> memref<1x1x80x128xi32, #tpu.memory_space<hbm>>
      %dma_wait3A_38 = tpu.memref_squeeze %dma_wait3A_37 : memref<1x1x80x128xi32, #tpu.memory_space<hbm>> -> memref<80x128xi32, #tpu.memory_space<hbm>>
      %dma_wait3A_39 = arith.constant 0 : i32
      %dma_wait3A_40 = arith.constant 0 : i32
      %dma_wait3A_41 = tpu.memref_slice %arg2[%arg0, %arg1, %dma_wait3A_39, %dma_wait3A_40] : memref<2x16x80x128xi32, #tpu.memory_space<hbm>> -> memref<1x1x80x128xi32, #tpu.memory_space<hbm>>
      %dma_wait3A_42 = tpu.memref_squeeze %dma_wait3A_41 : memref<1x1x80x128xi32, #tpu.memory_space<hbm>> -> memref<80x128xi32, #tpu.memory_space<hbm>>
      tpu.wait_dma2 semaphore(%run_scoped3A : memref<!tpu.dma_semaphore, #tpu.memory_space<semaphore_mem>>) src(%dma_wait3A_42 : memref<80x128xi32, #tpu.memory_space<hbm>>) dst(%arg4 : memref<80x128xi32, #tpu.memory_space<vmem>>)
      tpu.yield
    }) : () -> ()
    %barrier3A = arith.constant 0 : index
    tpu.barrier barrier_id(%barrier3A)
    %scan3A_18 = arith.constant 0 : i32
    %scan3A_19 = arith.constant 80 : i32
    %scan3A_20 = arith.addi %scan3A_18, %scan3A_19 : i32
    %scan3A_21 = arith.constant 1 : i32
    scf.for %scan3A_29 = %scan3A_18 to %scan3A_20 step %scan3A_21  : i32 {
      %mul3A_30 = arith.constant 1 : i32
      %mul3A_31 = arith.muli %scan3A_29, %mul3A_30 : i32
      %add3A = arith.constant 0 : i32
      %add3A_32 = arith.addi %add3A, %mul3A_31 : i32
      %dma_start3A = arith.constant 0 : i32
      %dma_start3A_33 = tpu.memref_slice %arg4[%add3A_32, %dma_start3A] : memref<80x128xi32, #tpu.memory_space<vmem>> -> memref<1x128xi32, #tpu.memory_space<vmem>>
      %dma_start3A_34 = tpu.memref_squeeze %dma_start3A_33 : memref<1x128xi32, #tpu.memory_space<vmem>> -> memref<128xi32, #tpu.memory_space<vmem>>
      %dma_start3A_35 = arith.constant 0 : i32
      %dma_start3A_36 = arith.constant 0 : i32
      %dma_start3A_37 = tpu.memref_slice %arg7[%dma_start3A_35, %dma_start3A_36] : memref<10240x16xf32, #tpu.memory_space<vmem_shared>> -> memref<10240x16xf32, #tpu.memory_space<vmem_shared>>
      tpu.enqueue_indirect_dma source(%arg5 : memref<128x16xf32, #tpu.memory_space<vmem>>) target(%dma_start3A_37 : memref<10240x16xf32, #tpu.memory_space<vmem_shared>>) offsets(%dma_start3A_34 : memref<128xi32, #tpu.memory_space<vmem>>) semaphore(%arg8 : memref<!tpu.dma_semaphore, #tpu.memory_space<semaphore_mem>>) {add = true}
    }
    %scan3A_22 = arith.constant 80 : i32
    %scan3A_23 = arith.constant 0 : i32
    %scan3A_24 = arith.constant 80 : i32
    %scan3A_25 = arith.addi %scan3A_23, %scan3A_24 : i32
    %scan3A_26 = arith.constant 1 : i32
    scf.for %scan3A_29 = %scan3A_23 to %scan3A_25 step %scan3A_26  : i32 {
      %mul3A_30 = arith.constant 1 : i32
      %mul3A_31 = arith.muli %scan3A_29, %mul3A_30 : i32
      %add3A = arith.constant 0 : i32
      %add3A_32 = arith.addi %add3A, %mul3A_31 : i32
      %dma_wait3A = arith.constant 0 : i32
      %dma_wait3A_33 = tpu.memref_slice %arg4[%add3A_32, %dma_wait3A] : memref<80x128xi32, #tpu.memory_space<vmem>> -> memref<1x128xi32, #tpu.memory_space<vmem>>
      %dma_wait3A_34 = tpu.memref_squeeze %dma_wait3A_33 : memref<1x128xi32, #tpu.memory_space<vmem>> -> memref<128xi32, #tpu.memory_space<vmem>>
      %dma_wait3A_35 = arith.constant 0 : i32
      %dma_wait3A_36 = arith.constant 0 : i32
      %dma_wait3A_37 = tpu.memref_slice %arg7[%dma_wait3A_35, %dma_wait3A_36] : memref<10240x16xf32, #tpu.memory_space<vmem_shared>> -> memref<10240x16xf32, #tpu.memory_space<vmem_shared>>
      tpu.wait_indirect_dma semaphore(%arg8 : memref<!tpu.dma_semaphore, #tpu.memory_space<semaphore_mem>>) src(%arg5 : memref<128x16xf32, #tpu.memory_space<vmem>>) dst(%dma_wait3A_37 : memref<10240x16xf32, #tpu.memory_space<vmem_shared>>)
    }
    %scan3A_27 = arith.constant 80 : i32
    %barrier3A_28 = arith.constant 0 : index
    tpu.barrier barrier_id(%barrier3A_28)
    "tpu.region"() ({
      %run_scoped3A = tpu.sem_alloc : memref<!tpu.dma_semaphore, #tpu.memory_space<semaphore_mem>>
      %dma_start3A = arith.constant 0 : i32
      %dma_start3A_29 = tpu.memref_slice %arg3[%arg0, %mul3A_0, %dma_start3A] : memref<2x10240x16xf32, #tpu.memory_space<hbm>> -> memref<1x640x16xf32, #tpu.memory_space<hbm>>
      %dma_start3A_30 = tpu.memref_squeeze %dma_start3A_29 : memref<1x640x16xf32, #tpu.memory_space<hbm>> -> memref<640x16xf32, #tpu.memory_space<hbm>>
      %dma_start3A_31 = arith.constant 0 : i32
      %dma_start3A_32 = tpu.memref_slice %arg7[%mul3A_0, %dma_start3A_31] : memref<10240x16xf32, #tpu.memory_space<vmem_shared>> -> memref<640x16xf32, #tpu.memory_space<vmem_shared>>
      tpu.enqueue_dma source(%dma_start3A_32 : memref<640x16xf32, #tpu.memory_space<vmem_shared>>) target(%dma_start3A_30 : memref<640x16xf32, #tpu.memory_space<hbm>>) target_semaphore(%run_scoped3A : memref<!tpu.dma_semaphore, #tpu.memory_space<semaphore_mem>>)
      %dma_wait3A = arith.constant 0 : i32
      %dma_wait3A_33 = tpu.memref_slice %arg3[%arg0, %mul3A_0, %dma_wait3A] : memref<2x10240x16xf32, #tpu.memory_space<hbm>> -> memref<1x640x16xf32, #tpu.memory_space<hbm>>
      %dma_wait3A_34 = tpu.memref_squeeze %dma_wait3A_33 : memref<1x640x16xf32, #tpu.memory_space<hbm>> -> memref<640x16xf32, #tpu.memory_space<hbm>>
      %dma_wait3A_35 = arith.constant 0 : i32
      %dma_wait3A_36 = tpu.memref_slice %arg7[%mul3A_0, %dma_wait3A_35] : memref<10240x16xf32, #tpu.memory_space<vmem_shared>> -> memref<640x16xf32, #tpu.memory_space<vmem_shared>>
      tpu.wait_dma2 semaphore(%run_scoped3A : memref<!tpu.dma_semaphore, #tpu.memory_space<semaphore_mem>>) src(%dma_wait3A_36 : memref<640x16xf32, #tpu.memory_space<vmem_shared>>) dst(%dma_wait3A_34 : memref<640x16xf32, #tpu.memory_space<hbm>>)
      tpu.yield
    }) : () -> ()
    return
  }
}

#map = affine_map<(d0, d1) -> (0, 0, 0, 0)>
#map1 = affine_map<(d0, d1) -> (0, 0)>
#map2 = affine_map<(d0, d1) -> (0, 0, 0)>
module attributes {stable_mosaic.version = 14 : i64} {
  func.func @_agg_kernel_body(%arg0: i32, %arg1: i32, %arg2: memref<2x16x80x128xi32, #tpu.memory_space<hbm>>, %arg3: memref<2x16x80x128xi32, #tpu.memory_space<hbm>>, %arg4: memref<10240x128xf32, #tpu.memory_space<hbm>>, %arg5: memref<2x10240x128xf32, #tpu.memory_space<hbm>>, %arg6: memref<40x128xi32, #tpu.memory_space<vmem>>, %arg7: memref<40x128xi32, #tpu.memory_space<vmem>>, %arg8: memref<128x128xf32, #tpu.memory_space<vmem>>, %arg9: memref<128x128xf32, #tpu.memory_space<vmem>>, %arg10: memref<32x128xf32, #tpu.memory_space<vmem>>, %arg11: memref<10240x128xf32, #tpu.memory_space<vmem_shared>>, %arg12: memref<!tpu.dma_semaphore, #tpu.memory_space<semaphore_mem>>, %arg13: memref<!tpu.dma_semaphore, #tpu.memory_space<semaphore_mem>>) attributes {dimension_semantics = [#tpu.dimension_semantics<core_parallel>, #tpu.dimension_semantics<subcore_parallel>], iteration_bounds = array<i64: 2, 16>, scalar_prefetch = 0 : i64, scratch_operands = 8 : i64, tpu.core_type = #tpu.core_type<sc_vector_subcore>, window_params = [{transform_indices = #map}, {transform_indices = #map}, {transform_indices = #map1}, {transform_indices = #map2}]} {
    %mul3A = arith.constant 640 : i32
    %mul3A_0 = arith.muli %arg1, %mul3A : i32
    %broadcast_in_dim3A = arith.constant 0.000000e+00 : f32
    %broadcast_in_dim3A_1 = vector.broadcast %broadcast_in_dim3A : f32 to vector<1x16xf32>
    %scan3A = arith.constant 0 : i32
    %scan3A_2 = arith.constant 32 : i32
    %scan3A_3 = arith.addi %scan3A, %scan3A_2 : i32
    %scan3A_4 = arith.constant 1 : i32
    scf.for %scan3A_79 = %scan3A to %scan3A_3 step %scan3A_4  : i32 {
      %mul3A_80 = arith.constant 1 : i32
      %mul3A_81 = arith.muli %scan3A_79, %mul3A_80 : i32
      %add3A = arith.constant 0 : i32
      %add3A_82 = arith.addi %add3A, %mul3A_81 : i32
      %scan3A_83 = arith.constant 0 : i32
      %scan3A_84 = arith.constant 8 : i32
      %scan3A_85 = arith.addi %scan3A_83, %scan3A_84 : i32
      %scan3A_86 = arith.constant 1 : i32
      scf.for %scan3A_88 = %scan3A_83 to %scan3A_85 step %scan3A_86  : i32 {
        %mul3A_89 = arith.constant 16 : i32
        %mul3A_90 = arith.muli %scan3A_88, %mul3A_89 : i32
        %add3A_91 = arith.constant 0 : i32
        %add3A_92 = arith.addi %add3A_91, %mul3A_90 : i32
        %swap3A = arith.index_cast %add3A_82 : i32 to index
        %swap3A_93 = arith.index_cast %add3A_92 : i32 to index
        %swap3A_94 = tpu.vector_load %arg10[%swap3A, %swap3A_93] {strides = array<i32>} : memref<32x128xf32, #tpu.memory_space<vmem>>, vector<1x16xf32>,
        %swap3A_95 = vector.shape_cast %swap3A_94 : vector<1x16xf32> to vector<1x16xf32>
        %swap3A_96 = vector.shape_cast %broadcast_in_dim3A_1 : vector<1x16xf32> to vector<1x16xf32>
        tpu.vector_store %arg10[%swap3A, %swap3A_93], %swap3A_96 {strides = array<i32>} : memref<32x128xf32, #tpu.memory_space<vmem>>, vector<1x16xf32>,
      }
      %scan3A_87 = arith.constant 8 : i32
    }
    %scan3A_5 = arith.constant 32 : i32
    %scan3A_6 = arith.constant 0 : i32
    %scan3A_7 = arith.constant 20 : i32
    %scan3A_8 = arith.addi %scan3A_6, %scan3A_7 : i32
    %scan3A_9 = arith.constant 1 : i32
    scf.for %scan3A_79 = %scan3A_6 to %scan3A_8 step %scan3A_9  : i32 {
      %mul3A_80 = arith.constant 32 : i32
      %mul3A_81 = arith.muli %scan3A_79, %mul3A_80 : i32
      %add3A = arith.constant 0 : i32
      %add3A_82 = arith.addi %add3A, %mul3A_81 : i32
      %add3A_83 = arith.addi %mul3A_0, %add3A_82 : i32
      "tpu.region"() ({
        %run_scoped3A_84 = tpu.sem_alloc : memref<!tpu.dma_semaphore, #tpu.memory_space<semaphore_mem>>
        %dma_start3A_85 = arith.constant 0 : i32
        %dma_start3A_86 = tpu.memref_slice %arg11[%add3A_83, %dma_start3A_85] : memref<10240x128xf32, #tpu.memory_space<vmem_shared>> -> memref<32x128xf32, #tpu.memory_space<vmem_shared>>
        %dma_start3A_87 = arith.constant 0 : i32
        %dma_start3A_88 = tpu.memref_slice %arg11[%add3A_83, %dma_start3A_87] : memref<10240x128xf32, #tpu.memory_space<vmem_shared>> -> memref<32x128xf32, #tpu.memory_space<vmem_shared>>
        tpu.enqueue_dma source(%arg10 : memref<32x128xf32, #tpu.memory_space<vmem>>) target(%dma_start3A_88 : memref<32x128xf32, #tpu.memory_space<vmem_shared>>) target_semaphore(%run_scoped3A_84 : memref<!tpu.dma_semaphore, #tpu.memory_space<semaphore_mem>>)
        %dma_wait3A_89 = arith.constant 0 : i32
        %dma_wait3A_90 = tpu.memref_slice %arg11[%add3A_83, %dma_wait3A_89] : memref<10240x128xf32, #tpu.memory_space<vmem_shared>> -> memref<32x128xf32, #tpu.memory_space<vmem_shared>>
        %dma_wait3A_91 = arith.constant 0 : i32
        %dma_wait3A_92 = tpu.memref_slice %arg11[%add3A_83, %dma_wait3A_91] : memref<10240x128xf32, #tpu.memory_space<vmem_shared>> -> memref<32x128xf32, #tpu.memory_space<vmem_shared>>
        tpu.wait_dma2 semaphore(%run_scoped3A_84 : memref<!tpu.dma_semaphore, #tpu.memory_space<semaphore_mem>>) src(%arg10 : memref<32x128xf32, #tpu.memory_space<vmem>>) dst(%dma_wait3A_92 : memref<32x128xf32, #tpu.memory_space<vmem_shared>>)
        tpu.yield
      }) : () -> ()
    }
    %scan3A_10 = arith.constant 20 : i32
    %barrier3A = arith.constant 0 : index
    tpu.barrier barrier_id(%barrier3A)
    "tpu.region"() ({
      %run_scoped3A_79 = tpu.sem_alloc : memref<!tpu.dma_semaphore, #tpu.memory_space<semaphore_mem>>
      %dma_start3A_80 = arith.constant 0 : i32
      %dma_start3A_81 = arith.constant 0 : i32
      %dma_start3A_82 = tpu.memref_slice %arg2[%arg0, %arg1, %dma_start3A_80, %dma_start3A_81] : memref<2x16x80x128xi32, #tpu.memory_space<hbm>> -> memref<1x1x40x128xi32, #tpu.memory_space<hbm>>
      %dma_start3A_83 = tpu.memref_squeeze %dma_start3A_82 : memref<1x1x40x128xi32, #tpu.memory_space<hbm>> -> memref<40x128xi32, #tpu.memory_space<hbm>>
      %dma_start3A_84 = arith.constant 0 : i32
      %dma_start3A_85 = arith.constant 0 : i32
      %dma_start3A_86 = tpu.memref_slice %arg2[%arg0, %arg1, %dma_start3A_84, %dma_start3A_85] : memref<2x16x80x128xi32, #tpu.memory_space<hbm>> -> memref<1x1x40x128xi32, #tpu.memory_space<hbm>>
      %dma_start3A_87 = tpu.memref_squeeze %dma_start3A_86 : memref<1x1x40x128xi32, #tpu.memory_space<hbm>> -> memref<40x128xi32, #tpu.memory_space<hbm>>
      tpu.enqueue_dma source(%dma_start3A_87 : memref<40x128xi32, #tpu.memory_space<hbm>>) target(%arg6 : memref<40x128xi32, #tpu.memory_space<vmem>>) target_semaphore(%run_scoped3A_79 : memref<!tpu.dma_semaphore, #tpu.memory_space<semaphore_mem>>)
      %dma_wait3A_88 = arith.constant 0 : i32
      %dma_wait3A_89 = arith.constant 0 : i32
      %dma_wait3A_90 = tpu.memref_slice %arg2[%arg0, %arg1, %dma_wait3A_88, %dma_wait3A_89] : memref<2x16x80x128xi32, #tpu.memory_space<hbm>> -> memref<1x1x40x128xi32, #tpu.memory_space<hbm>>
      %dma_wait3A_91 = tpu.memref_squeeze %dma_wait3A_90 : memref<1x1x40x128xi32, #tpu.memory_space<hbm>> -> memref<40x128xi32, #tpu.memory_space<hbm>>
      %dma_wait3A_92 = arith.constant 0 : i32
      %dma_wait3A_93 = arith.constant 0 : i32
      %dma_wait3A_94 = tpu.memref_slice %arg2[%arg0, %arg1, %dma_wait3A_92, %dma_wait3A_93] : memref<2x16x80x128xi32, #tpu.memory_space<hbm>> -> memref<1x1x40x128xi32, #tpu.memory_space<hbm>>
      %dma_wait3A_95 = tpu.memref_squeeze %dma_wait3A_94 : memref<1x1x40x128xi32, #tpu.memory_space<hbm>> -> memref<40x128xi32, #tpu.memory_space<hbm>>
      tpu.wait_dma2 semaphore(%run_scoped3A_79 : memref<!tpu.dma_semaphore, #tpu.memory_space<semaphore_mem>>) src(%dma_wait3A_95 : memref<40x128xi32, #tpu.memory_space<hbm>>) dst(%arg6 : memref<40x128xi32, #tpu.memory_space<vmem>>)
      tpu.yield
    }) : () -> ()
    "tpu.region"() ({
      %run_scoped3A_79 = tpu.sem_alloc : memref<!tpu.dma_semaphore, #tpu.memory_space<semaphore_mem>>
      %dma_start3A_80 = arith.constant 0 : i32
      %dma_start3A_81 = arith.constant 0 : i32
      %dma_start3A_82 = tpu.memref_slice %arg3[%arg0, %arg1, %dma_start3A_80, %dma_start3A_81] : memref<2x16x80x128xi32, #tpu.memory_space<hbm>> -> memref<1x1x40x128xi32, #tpu.memory_space<hbm>>
      %dma_start3A_83 = tpu.memref_squeeze %dma_start3A_82 : memref<1x1x40x128xi32, #tpu.memory_space<hbm>> -> memref<40x128xi32, #tpu.memory_space<hbm>>
      %dma_start3A_84 = arith.constant 0 : i32
      %dma_start3A_85 = arith.constant 0 : i32
      %dma_start3A_86 = tpu.memref_slice %arg3[%arg0, %arg1, %dma_start3A_84, %dma_start3A_85] : memref<2x16x80x128xi32, #tpu.memory_space<hbm>> -> memref<1x1x40x128xi32, #tpu.memory_space<hbm>>
      %dma_start3A_87 = tpu.memref_squeeze %dma_start3A_86 : memref<1x1x40x128xi32, #tpu.memory_space<hbm>> -> memref<40x128xi32, #tpu.memory_space<hbm>>
      tpu.enqueue_dma source(%dma_start3A_87 : memref<40x128xi32, #tpu.memory_space<hbm>>) target(%arg7 : memref<40x128xi32, #tpu.memory_space<vmem>>) target_semaphore(%run_scoped3A_79 : memref<!tpu.dma_semaphore, #tpu.memory_space<semaphore_mem>>)
      %dma_wait3A_88 = arith.constant 0 : i32
      %dma_wait3A_89 = arith.constant 0 : i32
      %dma_wait3A_90 = tpu.memref_slice %arg3[%arg0, %arg1, %dma_wait3A_88, %dma_wait3A_89] : memref<2x16x80x128xi32, #tpu.memory_space<hbm>> -> memref<1x1x40x128xi32, #tpu.memory_space<hbm>>
      %dma_wait3A_91 = tpu.memref_squeeze %dma_wait3A_90 : memref<1x1x40x128xi32, #tpu.memory_space<hbm>> -> memref<40x128xi32, #tpu.memory_space<hbm>>
      %dma_wait3A_92 = arith.constant 0 : i32
      %dma_wait3A_93 = arith.constant 0 : i32
      %dma_wait3A_94 = tpu.memref_slice %arg3[%arg0, %arg1, %dma_wait3A_92, %dma_wait3A_93] : memref<2x16x80x128xi32, #tpu.memory_space<hbm>> -> memref<1x1x40x128xi32, #tpu.memory_space<hbm>>
      %dma_wait3A_95 = tpu.memref_squeeze %dma_wait3A_94 : memref<1x1x40x128xi32, #tpu.memory_space<hbm>> -> memref<40x128xi32, #tpu.memory_space<hbm>>
      tpu.wait_dma2 semaphore(%run_scoped3A_79 : memref<!tpu.dma_semaphore, #tpu.memory_space<semaphore_mem>>) src(%dma_wait3A_95 : memref<40x128xi32, #tpu.memory_space<hbm>>) dst(%arg7 : memref<40x128xi32, #tpu.memory_space<vmem>>)
      tpu.yield
    }) : () -> ()
    %dma_start3A = arith.constant 0 : i32
    %dma_start3A_11 = arith.constant 0 : i32
    %dma_start3A_12 = tpu.memref_slice %arg6[%dma_start3A, %dma_start3A_11] : memref<40x128xi32, #tpu.memory_space<vmem>> -> memref<1x128xi32, #tpu.memory_space<vmem>>
    %dma_start3A_13 = tpu.memref_squeeze %dma_start3A_12 : memref<1x128xi32, #tpu.memory_space<vmem>> -> memref<128xi32, #tpu.memory_space<vmem>>
    %dma_start3A_14 = arith.constant 0 : i32
    %dma_start3A_15 = arith.constant 0 : i32
    %dma_start3A_16 = tpu.memref_slice %arg4[%dma_start3A_14, %dma_start3A_15] : memref<10240x128xf32, #tpu.memory_space<hbm>> -> memref<10240x128xf32, #tpu.memory_space<hbm>>
    tpu.enqueue_indirect_dma source(%dma_start3A_16 : memref<10240x128xf32, #tpu.memory_space<hbm>>) target(%arg8 : memref<128x128xf32, #tpu.memory_space<vmem>>) offsets(%dma_start3A_13 : memref<128xi32, #tpu.memory_space<vmem>>) semaphore(%arg12 : memref<!tpu.dma_semaphore, #tpu.memory_space<semaphore_mem>>)
    %dma_start3A_17 = arith.constant 1 : i32
    %dma_start3A_18 = arith.constant 0 : i32
    %dma_start3A_19 = tpu.memref_slice %arg6[%dma_start3A_17, %dma_start3A_18] : memref<40x128xi32, #tpu.memory_space<vmem>> -> memref<1x128xi32, #tpu.memory_space<vmem>>
    %dma_start3A_20 = tpu.memref_squeeze %dma_start3A_19 : memref<1x128xi32, #tpu.memory_space<vmem>> -> memref<128xi32, #tpu.memory_space<vmem>>
    %dma_start3A_21 = arith.constant 0 : i32
    %dma_start3A_22 = arith.constant 0 : i32
    %dma_start3A_23 = tpu.memref_slice %arg4[%dma_start3A_21, %dma_start3A_22] : memref<10240x128xf32, #tpu.memory_space<hbm>> -> memref<10240x128xf32, #tpu.memory_space<hbm>>
    tpu.enqueue_indirect_dma source(%dma_start3A_23 : memref<10240x128xf32, #tpu.memory_space<hbm>>) target(%arg9 : memref<128x128xf32, #tpu.memory_space<vmem>>) offsets(%dma_start3A_20 : memref<128xi32, #tpu.memory_space<vmem>>) semaphore(%arg13 : memref<!tpu.dma_semaphore, #tpu.memory_space<semaphore_mem>>)
    %scan3A_24 = arith.constant 0 : i32
    %scan3A_25 = arith.constant 19 : i32
    %scan3A_26 = arith.addi %scan3A_24, %scan3A_25 : i32
    %scan3A_27 = arith.constant 1 : i32
    scf.for %scan3A_79 = %scan3A_24 to %scan3A_26 step %scan3A_27  : i32 {
      %mul3A_80 = arith.constant 2 : i32
      %mul3A_81 = arith.muli %scan3A_79, %mul3A_80 : i32
      %add3A = arith.constant 0 : i32
      %add3A_82 = arith.addi %add3A, %mul3A_81 : i32
      %dma_wait3A_83 = arith.constant 0 : i32
      %dma_wait3A_84 = tpu.memref_slice %arg6[%add3A_82, %dma_wait3A_83] : memref<40x128xi32, #tpu.memory_space<vmem>> -> memref<1x128xi32, #tpu.memory_space<vmem>>
      %dma_wait3A_85 = tpu.memref_squeeze %dma_wait3A_84 : memref<1x128xi32, #tpu.memory_space<vmem>> -> memref<128xi32, #tpu.memory_space<vmem>>
      %dma_wait3A_86 = arith.constant 0 : i32
      %dma_wait3A_87 = arith.constant 0 : i32
      %dma_wait3A_88 = tpu.memref_slice %arg4[%dma_wait3A_86, %dma_wait3A_87] : memref<10240x128xf32, #tpu.memory_space<hbm>> -> memref<10240x128xf32, #tpu.memory_space<hbm>>
      tpu.wait_indirect_dma semaphore(%arg12 : memref<!tpu.dma_semaphore, #tpu.memory_space<semaphore_mem>>) src(%dma_wait3A_88 : memref<10240x128xf32, #tpu.memory_space<hbm>>) dst(%arg8 : memref<128x128xf32, #tpu.memory_space<vmem>>)
      "tpu.region"() ({
        %run_scoped3A_115 = tpu.sem_alloc : memref<!tpu.dma_semaphore, #tpu.memory_space<semaphore_mem>>
        %dma_start3A_116 = arith.constant 0 : i32
        %dma_start3A_117 = tpu.memref_slice %arg7[%add3A_82, %dma_start3A_116] : memref<40x128xi32, #tpu.memory_space<vmem>> -> memref<1x128xi32, #tpu.memory_space<vmem>>
        %dma_start3A_118 = tpu.memref_squeeze %dma_start3A_117 : memref<1x128xi32, #tpu.memory_space<vmem>> -> memref<128xi32, #tpu.memory_space<vmem>>
        %dma_start3A_119 = arith.constant 0 : i32
        %dma_start3A_120 = arith.constant 0 : i32
        %dma_start3A_121 = tpu.memref_slice %arg11[%dma_start3A_119, %dma_start3A_120] : memref<10240x128xf32, #tpu.memory_space<vmem_shared>> -> memref<10240x128xf32, #tpu.memory_space<vmem_shared>>
        tpu.enqueue_indirect_dma source(%arg8 : memref<128x128xf32, #tpu.memory_space<vmem>>) target(%dma_start3A_121 : memref<10240x128xf32, #tpu.memory_space<vmem_shared>>) offsets(%dma_start3A_118 : memref<128xi32, #tpu.memory_space<vmem>>) semaphore(%run_scoped3A_115 : memref<!tpu.dma_semaphore, #tpu.memory_space<semaphore_mem>>) {add = true}
        %dma_wait3A_122 = arith.constant 0 : i32
        %dma_wait3A_123 = tpu.memref_slice %arg7[%add3A_82, %dma_wait3A_122] : memref<40x128xi32, #tpu.memory_space<vmem>> -> memref<1x128xi32, #tpu.memory_space<vmem>>
        %dma_wait3A_124 = tpu.memref_squeeze %dma_wait3A_123 : memref<1x128xi32, #tpu.memory_space<vmem>> -> memref<128xi32, #tpu.memory_space<vmem>>
        %dma_wait3A_125 = arith.constant 0 : i32
        %dma_wait3A_126 = arith.constant 0 : i32
        %dma_wait3A_127 = tpu.memref_slice %arg11[%dma_wait3A_125, %dma_wait3A_126] : memref<10240x128xf32, #tpu.memory_space<vmem_shared>> -> memref<10240x128xf32, #tpu.memory_space<vmem_shared>>
        tpu.wait_indirect_dma semaphore(%run_scoped3A_115 : memref<!tpu.dma_semaphore, #tpu.memory_space<semaphore_mem>>) src(%arg8 : memref<128x128xf32, #tpu.memory_space<vmem>>) dst(%dma_wait3A_127 : memref<10240x128xf32, #tpu.memory_space<vmem_shared>>)
        tpu.yield
      }) : () -> ()
      %add3A_89 = arith.constant 2 : i32
      %add3A_90 = arith.addi %add3A_82, %add3A_89 : i32
      %dma_start3A_91 = arith.constant 0 : i32
      %dma_start3A_92 = tpu.memref_slice %arg6[%add3A_90, %dma_start3A_91] : memref<40x128xi32, #tpu.memory_space<vmem>> -> memref<1x128xi32, #tpu.memory_space<vmem>>
      %dma_start3A_93 = tpu.memref_squeeze %dma_start3A_92 : memref<1x128xi32, #tpu.memory_space<vmem>> -> memref<128xi32, #tpu.memory_space<vmem>>
      %dma_start3A_94 = arith.constant 0 : i32
      %dma_start3A_95 = arith.constant 0 : i32
      %dma_start3A_96 = tpu.memref_slice %arg4[%dma_start3A_94, %dma_start3A_95] : memref<10240x128xf32, #tpu.memory_space<hbm>> -> memref<10240x128xf32, #tpu.memory_space<hbm>>
      tpu.enqueue_indirect_dma source(%dma_start3A_96 : memref<10240x128xf32, #tpu.memory_space<hbm>>) target(%arg8 : memref<128x128xf32, #tpu.memory_space<vmem>>) offsets(%dma_start3A_93 : memref<128xi32, #tpu.memory_space<vmem>>) semaphore(%arg12 : memref<!tpu.dma_semaphore, #tpu.memory_space<semaphore_mem>>)
      %add3A_97 = arith.constant 1 : i32
      %add3A_98 = arith.addi %add3A_82, %add3A_97 : i32
      %dma_wait3A_99 = arith.constant 0 : i32
      %dma_wait3A_100 = tpu.memref_slice %arg6[%add3A_98, %dma_wait3A_99] : memref<40x128xi32, #tpu.memory_space<vmem>> -> memref<1x128xi32, #tpu.memory_space<vmem>>
      %dma_wait3A_101 = tpu.memref_squeeze %dma_wait3A_100 : memref<1x128xi32, #tpu.memory_space<vmem>> -> memref<128xi32, #tpu.memory_space<vmem>>
      %dma_wait3A_102 = arith.constant 0 : i32
      %dma_wait3A_103 = arith.constant 0 : i32
      %dma_wait3A_104 = tpu.memref_slice %arg4[%dma_wait3A_102, %dma_wait3A_103] : memref<10240x128xf32, #tpu.memory_space<hbm>> -> memref<10240x128xf32, #tpu.memory_space<hbm>>
      tpu.wait_indirect_dma semaphore(%arg13 : memref<!tpu.dma_semaphore, #tpu.memory_space<semaphore_mem>>) src(%dma_wait3A_104 : memref<10240x128xf32, #tpu.memory_space<hbm>>) dst(%arg9 : memref<128x128xf32, #tpu.memory_space<vmem>>)
      %add3A_105 = arith.constant 1 : i32
      %add3A_106 = arith.addi %add3A_82, %add3A_105 : i32
      "tpu.region"() ({
        %run_scoped3A_115 = tpu.sem_alloc : memref<!tpu.dma_semaphore, #tpu.memory_space<semaphore_mem>>
        %dma_start3A_116 = arith.constant 0 : i32
        %dma_start3A_117 = tpu.memref_slice %arg7[%add3A_106, %dma_start3A_116] : memref<40x128xi32, #tpu.memory_space<vmem>> -> memref<1x128xi32, #tpu.memory_space<vmem>>
        %dma_start3A_118 = tpu.memref_squeeze %dma_start3A_117 : memref<1x128xi32, #tpu.memory_space<vmem>> -> memref<128xi32, #tpu.memory_space<vmem>>
        %dma_start3A_119 = arith.constant 0 : i32
        %dma_start3A_120 = arith.constant 0 : i32
        %dma_start3A_121 = tpu.memref_slice %arg11[%dma_start3A_119, %dma_start3A_120] : memref<10240x128xf32, #tpu.memory_space<vmem_shared>> -> memref<10240x128xf32, #tpu.memory_space<vmem_shared>>
        tpu.enqueue_indirect_dma source(%arg9 : memref<128x128xf32, #tpu.memory_space<vmem>>) target(%dma_start3A_121 : memref<10240x128xf32, #tpu.memory_space<vmem_shared>>) offsets(%dma_start3A_118 : memref<128xi32, #tpu.memory_space<vmem>>) semaphore(%run_scoped3A_115 : memref<!tpu.dma_semaphore, #tpu.memory_space<semaphore_mem>>) {add = true}
        %dma_wait3A_122 = arith.constant 0 : i32
        %dma_wait3A_123 = tpu.memref_slice %arg7[%add3A_106, %dma_wait3A_122] : memref<40x128xi32, #tpu.memory_space<vmem>> -> memref<1x128xi32, #tpu.memory_space<vmem>>
        %dma_wait3A_124 = tpu.memref_squeeze %dma_wait3A_123 : memref<1x128xi32, #tpu.memory_space<vmem>> -> memref<128xi32, #tpu.memory_space<vmem>>
        %dma_wait3A_125 = arith.constant 0 : i32
        %dma_wait3A_126 = arith.constant 0 : i32
        %dma_wait3A_127 = tpu.memref_slice %arg11[%dma_wait3A_125, %dma_wait3A_126] : memref<10240x128xf32, #tpu.memory_space<vmem_shared>> -> memref<10240x128xf32, #tpu.memory_space<vmem_shared>>
        tpu.wait_indirect_dma semaphore(%run_scoped3A_115 : memref<!tpu.dma_semaphore, #tpu.memory_space<semaphore_mem>>) src(%arg9 : memref<128x128xf32, #tpu.memory_space<vmem>>) dst(%dma_wait3A_127 : memref<10240x128xf32, #tpu.memory_space<vmem_shared>>)
        tpu.yield
      }) : () -> ()
      %add3A_107 = arith.constant 3 : i32
      %add3A_108 = arith.addi %add3A_82, %add3A_107 : i32
      %dma_start3A_109 = arith.constant 0 : i32
      %dma_start3A_110 = tpu.memref_slice %arg6[%add3A_108, %dma_start3A_109] : memref<40x128xi32, #tpu.memory_space<vmem>> -> memref<1x128xi32, #tpu.memory_space<vmem>>
      %dma_start3A_111 = tpu.memref_squeeze %dma_start3A_110 : memref<1x128xi32, #tpu.memory_space<vmem>> -> memref<128xi32, #tpu.memory_space<vmem>>
      %dma_start3A_112 = arith.constant 0 : i32
      %dma_start3A_113 = arith.constant 0 : i32
      %dma_start3A_114 = tpu.memref_slice %arg4[%dma_start3A_112, %dma_start3A_113] : memref<10240x128xf32, #tpu.memory_space<hbm>> -> memref<10240x128xf32, #tpu.memory_space<hbm>>
      tpu.enqueue_indirect_dma source(%dma_start3A_114 : memref<10240x128xf32, #tpu.memory_space<hbm>>) target(%arg9 : memref<128x128xf32, #tpu.memory_space<vmem>>) offsets(%dma_start3A_111 : memref<128xi32, #tpu.memory_space<vmem>>) semaphore(%arg13 : memref<!tpu.dma_semaphore, #tpu.memory_space<semaphore_mem>>)
    }
    %scan3A_28 = arith.constant 19 : i32
    %dma_wait3A = arith.constant 38 : i32
    %dma_wait3A_29 = arith.constant 0 : i32
    %dma_wait3A_30 = tpu.memref_slice %arg6[%dma_wait3A, %dma_wait3A_29] : memref<40x128xi32, #tpu.memory_space<vmem>> -> memref<1x128xi32, #tpu.memory_space<vmem>>
    %dma_wait3A_31 = tpu.memref_squeeze %dma_wait3A_30 : memref<1x128xi32, #tpu.memory_space<vmem>> -> memref<128xi32, #tpu.memory_space<vmem>>
    %dma_wait3A_32 = arith.constant 0 : i32
    %dma_wait3A_33 = arith.constant 0 : i32
    %dma_wait3A_34 = tpu.memref_slice %arg4[%dma_wait3A_32, %dma_wait3A_33] : memref<10240x128xf32, #tpu.memory_space<hbm>> -> memref<10240x128xf32, #tpu.memory_space<hbm>>
    tpu.wait_indirect_dma semaphore(%arg12 : memref<!tpu.dma_semaphore, #tpu.memory_space<semaphore_mem>>) src(%dma_wait3A_34 : memref<10240x128xf32, #tpu.memory_space<hbm>>) dst(%arg8 : memref<128x128xf32, #tpu.memory_space<vmem>>)
    %run_scoped3A = arith.constant 38 : i32
    "tpu.region"() ({
      %run_scoped3A_79 = tpu.sem_alloc : memref<!tpu.dma_semaphore, #tpu.memory_space<semaphore_mem>>
      %dma_start3A_80 = arith.constant 0 : i32
      %dma_start3A_81 = tpu.memref_slice %arg7[%run_scoped3A, %dma_start3A_80] : memref<40x128xi32, #tpu.memory_space<vmem>> -> memref<1x128xi32, #tpu.memory_space<vmem>>
      %dma_start3A_82 = tpu.memref_squeeze %dma_start3A_81 : memref<1x128xi32, #tpu.memory_space<vmem>> -> memref<128xi32, #tpu.memory_space<vmem>>
      %dma_start3A_83 = arith.constant 0 : i32
      %dma_start3A_84 = arith.constant 0 : i32
      %dma_start3A_85 = tpu.memref_slice %arg11[%dma_start3A_83, %dma_start3A_84] : memref<10240x128xf32, #tpu.memory_space<vmem_shared>> -> memref<10240x128xf32, #tpu.memory_space<vmem_shared>>
      tpu.enqueue_indirect_dma source(%arg8 : memref<128x128xf32, #tpu.memory_space<vmem>>) target(%dma_start3A_85 : memref<10240x128xf32, #tpu.memory_space<vmem_shared>>) offsets(%dma_start3A_82 : memref<128xi32, #tpu.memory_space<vmem>>) semaphore(%run_scoped3A_79 : memref<!tpu.dma_semaphore, #tpu.memory_space<semaphore_mem>>) {add = true}
      %dma_wait3A_86 = arith.constant 0 : i32
      %dma_wait3A_87 = tpu.memref_slice %arg7[%run_scoped3A, %dma_wait3A_86] : memref<40x128xi32, #tpu.memory_space<vmem>> -> memref<1x128xi32, #tpu.memory_space<vmem>>
      %dma_wait3A_88 = tpu.memref_squeeze %dma_wait3A_87 : memref<1x128xi32, #tpu.memory_space<vmem>> -> memref<128xi32, #tpu.memory_space<vmem>>
      %dma_wait3A_89 = arith.constant 0 : i32
      %dma_wait3A_90 = arith.constant 0 : i32
      %dma_wait3A_91 = tpu.memref_slice %arg11[%dma_wait3A_89, %dma_wait3A_90] : memref<10240x128xf32, #tpu.memory_space<vmem_shared>> -> memref<10240x128xf32, #tpu.memory_space<vmem_shared>>
      tpu.wait_indirect_dma semaphore(%run_scoped3A_79 : memref<!tpu.dma_semaphore, #tpu.memory_space<semaphore_mem>>) src(%arg8 : memref<128x128xf32, #tpu.memory_space<vmem>>) dst(%dma_wait3A_91 : memref<10240x128xf32, #tpu.memory_space<vmem_shared>>)
      tpu.yield
    }) : () -> ()
    %dma_wait3A_35 = arith.constant 39 : i32
    %dma_wait3A_36 = arith.constant 0 : i32
    %dma_wait3A_37 = tpu.memref_slice %arg6[%dma_wait3A_35, %dma_wait3A_36] : memref<40x128xi32, #tpu.memory_space<vmem>> -> memref<1x128xi32, #tpu.memory_space<vmem>>
    %dma_wait3A_38 = tpu.memref_squeeze %dma_wait3A_37 : memref<1x128xi32, #tpu.memory_space<vmem>> -> memref<128xi32, #tpu.memory_space<vmem>>
    %dma_wait3A_39 = arith.constant 0 : i32
    %dma_wait3A_40 = arith.constant 0 : i32
    %dma_wait3A_41 = tpu.memref_slice %arg4[%dma_wait3A_39, %dma_wait3A_40] : memref<10240x128xf32, #tpu.memory_space<hbm>> -> memref<10240x128xf32, #tpu.memory_space<hbm>>
    tpu.wait_indirect_dma semaphore(%arg13 : memref<!tpu.dma_semaphore, #tpu.memory_space<semaphore_mem>>) src(%dma_wait3A_41 : memref<10240x128xf32, #tpu.memory_space<hbm>>) dst(%arg9 : memref<128x128xf32, #tpu.memory_space<vmem>>)
    %run_scoped3A_42 = arith.constant 39 : i32
    "tpu.region"() ({
      %run_scoped3A_79 = tpu.sem_alloc : memref<!tpu.dma_semaphore, #tpu.memory_space<semaphore_mem>>
      %dma_start3A_80 = arith.constant 0 : i32
      %dma_start3A_81 = tpu.memref_slice %arg7[%run_scoped3A_42, %dma_start3A_80] : memref<40x128xi32, #tpu.memory_space<vmem>> -> memref<1x128xi32, #tpu.memory_space<vmem>>
      %dma_start3A_82 = tpu.memref_squeeze %dma_start3A_81 : memref<1x128xi32, #tpu.memory_space<vmem>> -> memref<128xi32, #tpu.memory_space<vmem>>
      %dma_start3A_83 = arith.constant 0 : i32
      %dma_start3A_84 = arith.constant 0 : i32
      %dma_start3A_85 = tpu.memref_slice %arg11[%dma_start3A_83, %dma_start3A_84] : memref<10240x128xf32, #tpu.memory_space<vmem_shared>> -> memref<10240x128xf32, #tpu.memory_space<vmem_shared>>
      tpu.enqueue_indirect_dma source(%arg9 : memref<128x128xf32, #tpu.memory_space<vmem>>) target(%dma_start3A_85 : memref<10240x128xf32, #tpu.memory_space<vmem_shared>>) offsets(%dma_start3A_82 : memref<128xi32, #tpu.memory_space<vmem>>) semaphore(%run_scoped3A_79 : memref<!tpu.dma_semaphore, #tpu.memory_space<semaphore_mem>>) {add = true}
      %dma_wait3A_86 = arith.constant 0 : i32
      %dma_wait3A_87 = tpu.memref_slice %arg7[%run_scoped3A_42, %dma_wait3A_86] : memref<40x128xi32, #tpu.memory_space<vmem>> -> memref<1x128xi32, #tpu.memory_space<vmem>>
      %dma_wait3A_88 = tpu.memref_squeeze %dma_wait3A_87 : memref<1x128xi32, #tpu.memory_space<vmem>> -> memref<128xi32, #tpu.memory_space<vmem>>
      %dma_wait3A_89 = arith.constant 0 : i32
      %dma_wait3A_90 = arith.constant 0 : i32
      %dma_wait3A_91 = tpu.memref_slice %arg11[%dma_wait3A_89, %dma_wait3A_90] : memref<10240x128xf32, #tpu.memory_space<vmem_shared>> -> memref<10240x128xf32, #tpu.memory_space<vmem_shared>>
      tpu.wait_indirect_dma semaphore(%run_scoped3A_79 : memref<!tpu.dma_semaphore, #tpu.memory_space<semaphore_mem>>) src(%arg9 : memref<128x128xf32, #tpu.memory_space<vmem>>) dst(%dma_wait3A_91 : memref<10240x128xf32, #tpu.memory_space<vmem_shared>>)
      tpu.yield
    }) : () -> ()
    "tpu.region"() ({
      %run_scoped3A_79 = tpu.sem_alloc : memref<!tpu.dma_semaphore, #tpu.memory_space<semaphore_mem>>
      %dma_start3A_80 = arith.constant 40 : i32
      %dma_start3A_81 = arith.constant 0 : i32
      %dma_start3A_82 = tpu.memref_slice %arg2[%arg0, %arg1, %dma_start3A_80, %dma_start3A_81] : memref<2x16x80x128xi32, #tpu.memory_space<hbm>> -> memref<1x1x40x128xi32, #tpu.memory_space<hbm>>
      %dma_start3A_83 = tpu.memref_squeeze %dma_start3A_82 : memref<1x1x40x128xi32, #tpu.memory_space<hbm>> -> memref<40x128xi32, #tpu.memory_space<hbm>>
      %dma_start3A_84 = arith.constant 40 : i32
      %dma_start3A_85 = arith.constant 0 : i32
      %dma_start3A_86 = tpu.memref_slice %arg2[%arg0, %arg1, %dma_start3A_84, %dma_start3A_85] : memref<2x16x80x128xi32, #tpu.memory_space<hbm>> -> memref<1x1x40x128xi32, #tpu.memory_space<hbm>>
      %dma_start3A_87 = tpu.memref_squeeze %dma_start3A_86 : memref<1x1x40x128xi32, #tpu.memory_space<hbm>> -> memref<40x128xi32, #tpu.memory_space<hbm>>
      tpu.enqueue_dma source(%dma_start3A_87 : memref<40x128xi32, #tpu.memory_space<hbm>>) target(%arg6 : memref<40x128xi32, #tpu.memory_space<vmem>>) target_semaphore(%run_scoped3A_79 : memref<!tpu.dma_semaphore, #tpu.memory_space<semaphore_mem>>)
      %dma_wait3A_88 = arith.constant 40 : i32
      %dma_wait3A_89 = arith.constant 0 : i32
      %dma_wait3A_90 = tpu.memref_slice %arg2[%arg0, %arg1, %dma_wait3A_88, %dma_wait3A_89] : memref<2x16x80x128xi32, #tpu.memory_space<hbm>> -> memref<1x1x40x128xi32, #tpu.memory_space<hbm>>
      %dma_wait3A_91 = tpu.memref_squeeze %dma_wait3A_90 : memref<1x1x40x128xi32, #tpu.memory_space<hbm>> -> memref<40x128xi32, #tpu.memory_space<hbm>>
      %dma_wait3A_92 = arith.constant 40 : i32
      %dma_wait3A_93 = arith.constant 0 : i32
      %dma_wait3A_94 = tpu.memref_slice %arg2[%arg0, %arg1, %dma_wait3A_92, %dma_wait3A_93] : memref<2x16x80x128xi32, #tpu.memory_space<hbm>> -> memref<1x1x40x128xi32, #tpu.memory_space<hbm>>
      %dma_wait3A_95 = tpu.memref_squeeze %dma_wait3A_94 : memref<1x1x40x128xi32, #tpu.memory_space<hbm>> -> memref<40x128xi32, #tpu.memory_space<hbm>>
      tpu.wait_dma2 semaphore(%run_scoped3A_79 : memref<!tpu.dma_semaphore, #tpu.memory_space<semaphore_mem>>) src(%dma_wait3A_95 : memref<40x128xi32, #tpu.memory_space<hbm>>) dst(%arg6 : memref<40x128xi32, #tpu.memory_space<vmem>>)
      tpu.yield
    }) : () -> ()
    "tpu.region"() ({
      %run_scoped3A_79 = tpu.sem_alloc : memref<!tpu.dma_semaphore, #tpu.memory_space<semaphore_mem>>
      %dma_start3A_80 = arith.constant 40 : i32
      %dma_start3A_81 = arith.constant 0 : i32
      %dma_start3A_82 = tpu.memref_slice %arg3[%arg0, %arg1, %dma_start3A_80, %dma_start3A_81] : memref<2x16x80x128xi32, #tpu.memory_space<hbm>> -> memref<1x1x40x128xi32, #tpu.memory_space<hbm>>
      %dma_start3A_83 = tpu.memref_squeeze %dma_start3A_82 : memref<1x1x40x128xi32, #tpu.memory_space<hbm>> -> memref<40x128xi32, #tpu.memory_space<hbm>>
      %dma_start3A_84 = arith.constant 40 : i32
      %dma_start3A_85 = arith.constant 0 : i32
      %dma_start3A_86 = tpu.memref_slice %arg3[%arg0, %arg1, %dma_start3A_84, %dma_start3A_85] : memref<2x16x80x128xi32, #tpu.memory_space<hbm>> -> memref<1x1x40x128xi32, #tpu.memory_space<hbm>>
      %dma_start3A_87 = tpu.memref_squeeze %dma_start3A_86 : memref<1x1x40x128xi32, #tpu.memory_space<hbm>> -> memref<40x128xi32, #tpu.memory_space<hbm>>
      tpu.enqueue_dma source(%dma_start3A_87 : memref<40x128xi32, #tpu.memory_space<hbm>>) target(%arg7 : memref<40x128xi32, #tpu.memory_space<vmem>>) target_semaphore(%run_scoped3A_79 : memref<!tpu.dma_semaphore, #tpu.memory_space<semaphore_mem>>)
      %dma_wait3A_88 = arith.constant 40 : i32
      %dma_wait3A_89 = arith.constant 0 : i32
      %dma_wait3A_90 = tpu.memref_slice %arg3[%arg0, %arg1, %dma_wait3A_88, %dma_wait3A_89] : memref<2x16x80x128xi32, #tpu.memory_space<hbm>> -> memref<1x1x40x128xi32, #tpu.memory_space<hbm>>
      %dma_wait3A_91 = tpu.memref_squeeze %dma_wait3A_90 : memref<1x1x40x128xi32, #tpu.memory_space<hbm>> -> memref<40x128xi32, #tpu.memory_space<hbm>>
      %dma_wait3A_92 = arith.constant 40 : i32
      %dma_wait3A_93 = arith.constant 0 : i32
      %dma_wait3A_94 = tpu.memref_slice %arg3[%arg0, %arg1, %dma_wait3A_92, %dma_wait3A_93] : memref<2x16x80x128xi32, #tpu.memory_space<hbm>> -> memref<1x1x40x128xi32, #tpu.memory_space<hbm>>
      %dma_wait3A_95 = tpu.memref_squeeze %dma_wait3A_94 : memref<1x1x40x128xi32, #tpu.memory_space<hbm>> -> memref<40x128xi32, #tpu.memory_space<hbm>>
      tpu.wait_dma2 semaphore(%run_scoped3A_79 : memref<!tpu.dma_semaphore, #tpu.memory_space<semaphore_mem>>) src(%dma_wait3A_95 : memref<40x128xi32, #tpu.memory_space<hbm>>) dst(%arg7 : memref<40x128xi32, #tpu.memory_space<vmem>>)
      tpu.yield
    }) : () -> ()
    %dma_start3A_43 = arith.constant 0 : i32
    %dma_start3A_44 = arith.constant 0 : i32
    %dma_start3A_45 = tpu.memref_slice %arg6[%dma_start3A_43, %dma_start3A_44] : memref<40x128xi32, #tpu.memory_space<vmem>> -> memref<1x128xi32, #tpu.memory_space<vmem>>
    %dma_start3A_46 = tpu.memref_squeeze %dma_start3A_45 : memref<1x128xi32, #tpu.memory_space<vmem>> -> memref<128xi32, #tpu.memory_space<vmem>>
    %dma_start3A_47 = arith.constant 0 : i32
    %dma_start3A_48 = arith.constant 0 : i32
    %dma_start3A_49 = tpu.memref_slice %arg4[%dma_start3A_47, %dma_start3A_48] : memref<10240x128xf32, #tpu.memory_space<hbm>> -> memref<10240x128xf32, #tpu.memory_space<hbm>>
    tpu.enqueue_indirect_dma source(%dma_start3A_49 : memref<10240x128xf32, #tpu.memory_space<hbm>>) target(%arg8 : memref<128x128xf32, #tpu.memory_space<vmem>>) offsets(%dma_start3A_46 : memref<128xi32, #tpu.memory_space<vmem>>) semaphore(%arg12 : memref<!tpu.dma_semaphore, #tpu.memory_space<semaphore_mem>>)
    %dma_start3A_50 = arith.constant 1 : i32
    %dma_start3A_51 = arith.constant 0 : i32
    %dma_start3A_52 = tpu.memref_slice %arg6[%dma_start3A_50, %dma_start3A_51] : memref<40x128xi32, #tpu.memory_space<vmem>> -> memref<1x128xi32, #tpu.memory_space<vmem>>
    %dma_start3A_53 = tpu.memref_squeeze %dma_start3A_52 : memref<1x128xi32, #tpu.memory_space<vmem>> -> memref<128xi32, #tpu.memory_space<vmem>>
    %dma_start3A_54 = arith.constant 0 : i32
    %dma_start3A_55 = arith.constant 0 : i32
    %dma_start3A_56 = tpu.memref_slice %arg4[%dma_start3A_54, %dma_start3A_55] : memref<10240x128xf32, #tpu.memory_space<hbm>> -> memref<10240x128xf32, #tpu.memory_space<hbm>>
    tpu.enqueue_indirect_dma source(%dma_start3A_56 : memref<10240x128xf32, #tpu.memory_space<hbm>>) target(%arg9 : memref<128x128xf32, #tpu.memory_space<vmem>>) offsets(%dma_start3A_53 : memref<128xi32, #tpu.memory_space<vmem>>) semaphore(%arg13 : memref<!tpu.dma_semaphore, #tpu.memory_space<semaphore_mem>>)
    %scan3A_57 = arith.constant 0 : i32
    %scan3A_58 = arith.constant 19 : i32
    %scan3A_59 = arith.addi %scan3A_57, %scan3A_58 : i32
    %scan3A_60 = arith.constant 1 : i32
    scf.for %scan3A_79 = %scan3A_57 to %scan3A_59 step %scan3A_60  : i32 {
      %mul3A_80 = arith.constant 2 : i32
      %mul3A_81 = arith.muli %scan3A_79, %mul3A_80 : i32
      %add3A = arith.constant 0 : i32
      %add3A_82 = arith.addi %add3A, %mul3A_81 : i32
      %dma_wait3A_83 = arith.constant 0 : i32
      %dma_wait3A_84 = tpu.memref_slice %arg6[%add3A_82, %dma_wait3A_83] : memref<40x128xi32, #tpu.memory_space<vmem>> -> memref<1x128xi32, #tpu.memory_space<vmem>>
      %dma_wait3A_85 = tpu.memref_squeeze %dma_wait3A_84 : memref<1x128xi32, #tpu.memory_space<vmem>> -> memref<128xi32, #tpu.memory_space<vmem>>
      %dma_wait3A_86 = arith.constant 0 : i32
      %dma_wait3A_87 = arith.constant 0 : i32
      %dma_wait3A_88 = tpu.memref_slice %arg4[%dma_wait3A_86, %dma_wait3A_87] : memref<10240x128xf32, #tpu.memory_space<hbm>> -> memref<10240x128xf32, #tpu.memory_space<hbm>>
      tpu.wait_indirect_dma semaphore(%arg12 : memref<!tpu.dma_semaphore, #tpu.memory_space<semaphore_mem>>) src(%dma_wait3A_88 : memref<10240x128xf32, #tpu.memory_space<hbm>>) dst(%arg8 : memref<128x128xf32, #tpu.memory_space<vmem>>)
      "tpu.region"() ({
        %run_scoped3A_115 = tpu.sem_alloc : memref<!tpu.dma_semaphore, #tpu.memory_space<semaphore_mem>>
        %dma_start3A_116 = arith.constant 0 : i32
        %dma_start3A_117 = tpu.memref_slice %arg7[%add3A_82, %dma_start3A_116] : memref<40x128xi32, #tpu.memory_space<vmem>> -> memref<1x128xi32, #tpu.memory_space<vmem>>
        %dma_start3A_118 = tpu.memref_squeeze %dma_start3A_117 : memref<1x128xi32, #tpu.memory_space<vmem>> -> memref<128xi32, #tpu.memory_space<vmem>>
        %dma_start3A_119 = arith.constant 0 : i32
        %dma_start3A_120 = arith.constant 0 : i32
        %dma_start3A_121 = tpu.memref_slice %arg11[%dma_start3A_119, %dma_start3A_120] : memref<10240x128xf32, #tpu.memory_space<vmem_shared>> -> memref<10240x128xf32, #tpu.memory_space<vmem_shared>>
        tpu.enqueue_indirect_dma source(%arg8 : memref<128x128xf32, #tpu.memory_space<vmem>>) target(%dma_start3A_121 : memref<10240x128xf32, #tpu.memory_space<vmem_shared>>) offsets(%dma_start3A_118 : memref<128xi32, #tpu.memory_space<vmem>>) semaphore(%run_scoped3A_115 : memref<!tpu.dma_semaphore, #tpu.memory_space<semaphore_mem>>) {add = true}
        %dma_wait3A_122 = arith.constant 0 : i32
        %dma_wait3A_123 = tpu.memref_slice %arg7[%add3A_82, %dma_wait3A_122] : memref<40x128xi32, #tpu.memory_space<vmem>> -> memref<1x128xi32, #tpu.memory_space<vmem>>
        %dma_wait3A_124 = tpu.memref_squeeze %dma_wait3A_123 : memref<1x128xi32, #tpu.memory_space<vmem>> -> memref<128xi32, #tpu.memory_space<vmem>>
        %dma_wait3A_125 = arith.constant 0 : i32
        %dma_wait3A_126 = arith.constant 0 : i32
        %dma_wait3A_127 = tpu.memref_slice %arg11[%dma_wait3A_125, %dma_wait3A_126] : memref<10240x128xf32, #tpu.memory_space<vmem_shared>> -> memref<10240x128xf32, #tpu.memory_space<vmem_shared>>
        tpu.wait_indirect_dma semaphore(%run_scoped3A_115 : memref<!tpu.dma_semaphore, #tpu.memory_space<semaphore_mem>>) src(%arg8 : memref<128x128xf32, #tpu.memory_space<vmem>>) dst(%dma_wait3A_127 : memref<10240x128xf32, #tpu.memory_space<vmem_shared>>)
        tpu.yield
      }) : () -> ()
      %add3A_89 = arith.constant 2 : i32
      %add3A_90 = arith.addi %add3A_82, %add3A_89 : i32
      %dma_start3A_91 = arith.constant 0 : i32
      %dma_start3A_92 = tpu.memref_slice %arg6[%add3A_90, %dma_start3A_91] : memref<40x128xi32, #tpu.memory_space<vmem>> -> memref<1x128xi32, #tpu.memory_space<vmem>>
      %dma_start3A_93 = tpu.memref_squeeze %dma_start3A_92 : memref<1x128xi32, #tpu.memory_space<vmem>> -> memref<128xi32, #tpu.memory_space<vmem>>
      %dma_start3A_94 = arith.constant 0 : i32
      %dma_start3A_95 = arith.constant 0 : i32
      %dma_start3A_96 = tpu.memref_slice %arg4[%dma_start3A_94, %dma_start3A_95] : memref<10240x128xf32, #tpu.memory_space<hbm>> -> memref<10240x128xf32, #tpu.memory_space<hbm>>
      tpu.enqueue_indirect_dma source(%dma_start3A_96 : memref<10240x128xf32, #tpu.memory_space<hbm>>) target(%arg8 : memref<128x128xf32, #tpu.memory_space<vmem>>) offsets(%dma_start3A_93 : memref<128xi32, #tpu.memory_space<vmem>>) semaphore(%arg12 : memref<!tpu.dma_semaphore, #tpu.memory_space<semaphore_mem>>)
      %add3A_97 = arith.constant 1 : i32
      %add3A_98 = arith.addi %add3A_82, %add3A_97 : i32
      %dma_wait3A_99 = arith.constant 0 : i32
      %dma_wait3A_100 = tpu.memref_slice %arg6[%add3A_98, %dma_wait3A_99] : memref<40x128xi32, #tpu.memory_space<vmem>> -> memref<1x128xi32, #tpu.memory_space<vmem>>
      %dma_wait3A_101 = tpu.memref_squeeze %dma_wait3A_100 : memref<1x128xi32, #tpu.memory_space<vmem>> -> memref<128xi32, #tpu.memory_space<vmem>>
      %dma_wait3A_102 = arith.constant 0 : i32
      %dma_wait3A_103 = arith.constant 0 : i32
      %dma_wait3A_104 = tpu.memref_slice %arg4[%dma_wait3A_102, %dma_wait3A_103] : memref<10240x128xf32, #tpu.memory_space<hbm>> -> memref<10240x128xf32, #tpu.memory_space<hbm>>
      tpu.wait_indirect_dma semaphore(%arg13 : memref<!tpu.dma_semaphore, #tpu.memory_space<semaphore_mem>>) src(%dma_wait3A_104 : memref<10240x128xf32, #tpu.memory_space<hbm>>) dst(%arg9 : memref<128x128xf32, #tpu.memory_space<vmem>>)
      %add3A_105 = arith.constant 1 : i32
      %add3A_106 = arith.addi %add3A_82, %add3A_105 : i32
      "tpu.region"() ({
        %run_scoped3A_115 = tpu.sem_alloc : memref<!tpu.dma_semaphore, #tpu.memory_space<semaphore_mem>>
        %dma_start3A_116 = arith.constant 0 : i32
        %dma_start3A_117 = tpu.memref_slice %arg7[%add3A_106, %dma_start3A_116] : memref<40x128xi32, #tpu.memory_space<vmem>> -> memref<1x128xi32, #tpu.memory_space<vmem>>
        %dma_start3A_118 = tpu.memref_squeeze %dma_start3A_117 : memref<1x128xi32, #tpu.memory_space<vmem>> -> memref<128xi32, #tpu.memory_space<vmem>>
        %dma_start3A_119 = arith.constant 0 : i32
        %dma_start3A_120 = arith.constant 0 : i32
        %dma_start3A_121 = tpu.memref_slice %arg11[%dma_start3A_119, %dma_start3A_120] : memref<10240x128xf32, #tpu.memory_space<vmem_shared>> -> memref<10240x128xf32, #tpu.memory_space<vmem_shared>>
        tpu.enqueue_indirect_dma source(%arg9 : memref<128x128xf32, #tpu.memory_space<vmem>>) target(%dma_start3A_121 : memref<10240x128xf32, #tpu.memory_space<vmem_shared>>) offsets(%dma_start3A_118 : memref<128xi32, #tpu.memory_space<vmem>>) semaphore(%run_scoped3A_115 : memref<!tpu.dma_semaphore, #tpu.memory_space<semaphore_mem>>) {add = true}
        %dma_wait3A_122 = arith.constant 0 : i32
        %dma_wait3A_123 = tpu.memref_slice %arg7[%add3A_106, %dma_wait3A_122] : memref<40x128xi32, #tpu.memory_space<vmem>> -> memref<1x128xi32, #tpu.memory_space<vmem>>
        %dma_wait3A_124 = tpu.memref_squeeze %dma_wait3A_123 : memref<1x128xi32, #tpu.memory_space<vmem>> -> memref<128xi32, #tpu.memory_space<vmem>>
        %dma_wait3A_125 = arith.constant 0 : i32
        %dma_wait3A_126 = arith.constant 0 : i32
        %dma_wait3A_127 = tpu.memref_slice %arg11[%dma_wait3A_125, %dma_wait3A_126] : memref<10240x128xf32, #tpu.memory_space<vmem_shared>> -> memref<10240x128xf32, #tpu.memory_space<vmem_shared>>
        tpu.wait_indirect_dma semaphore(%run_scoped3A_115 : memref<!tpu.dma_semaphore, #tpu.memory_space<semaphore_mem>>) src(%arg9 : memref<128x128xf32, #tpu.memory_space<vmem>>) dst(%dma_wait3A_127 : memref<10240x128xf32, #tpu.memory_space<vmem_shared>>)
        tpu.yield
      }) : () -> ()
      %add3A_107 = arith.constant 3 : i32
      %add3A_108 = arith.addi %add3A_82, %add3A_107 : i32
      %dma_start3A_109 = arith.constant 0 : i32
      %dma_start3A_110 = tpu.memref_slice %arg6[%add3A_108, %dma_start3A_109] : memref<40x128xi32, #tpu.memory_space<vmem>> -> memref<1x128xi32, #tpu.memory_space<vmem>>
      %dma_start3A_111 = tpu.memref_squeeze %dma_start3A_110 : memref<1x128xi32, #tpu.memory_space<vmem>> -> memref<128xi32, #tpu.memory_space<vmem>>
      %dma_start3A_112 = arith.constant 0 : i32
      %dma_start3A_113 = arith.constant 0 : i32
      %dma_start3A_114 = tpu.memref_slice %arg4[%dma_start3A_112, %dma_start3A_113] : memref<10240x128xf32, #tpu.memory_space<hbm>> -> memref<10240x128xf32, #tpu.memory_space<hbm>>
      tpu.enqueue_indirect_dma source(%dma_start3A_114 : memref<10240x128xf32, #tpu.memory_space<hbm>>) target(%arg9 : memref<128x128xf32, #tpu.memory_space<vmem>>) offsets(%dma_start3A_111 : memref<128xi32, #tpu.memory_space<vmem>>) semaphore(%arg13 : memref<!tpu.dma_semaphore, #tpu.memory_space<semaphore_mem>>)
    }
    %scan3A_61 = arith.constant 19 : i32
    %dma_wait3A_62 = arith.constant 38 : i32
    %dma_wait3A_63 = arith.constant 0 : i32
    %dma_wait3A_64 = tpu.memref_slice %arg6[%dma_wait3A_62, %dma_wait3A_63] : memref<40x128xi32, #tpu.memory_space<vmem>> -> memref<1x128xi32, #tpu.memory_space<vmem>>
    %dma_wait3A_65 = tpu.memref_squeeze %dma_wait3A_64 : memref<1x128xi32, #tpu.memory_space<vmem>> -> memref<128xi32, #tpu.memory_space<vmem>>
    %dma_wait3A_66 = arith.constant 0 : i32
    %dma_wait3A_67 = arith.constant 0 : i32
    %dma_wait3A_68 = tpu.memref_slice %arg4[%dma_wait3A_66, %dma_wait3A_67] : memref<10240x128xf32, #tpu.memory_space<hbm>> -> memref<10240x128xf32, #tpu.memory_space<hbm>>
    tpu.wait_indirect_dma semaphore(%arg12 : memref<!tpu.dma_semaphore, #tpu.memory_space<semaphore_mem>>) src(%dma_wait3A_68 : memref<10240x128xf32, #tpu.memory_space<hbm>>) dst(%arg8 : memref<128x128xf32, #tpu.memory_space<vmem>>)
    %run_scoped3A_69 = arith.constant 38 : i32
    "tpu.region"() ({
      %run_scoped3A_79 = tpu.sem_alloc : memref<!tpu.dma_semaphore, #tpu.memory_space<semaphore_mem>>
      %dma_start3A_80 = arith.constant 0 : i32
      %dma_start3A_81 = tpu.memref_slice %arg7[%run_scoped3A_69, %dma_start3A_80] : memref<40x128xi32, #tpu.memory_space<vmem>> -> memref<1x128xi32, #tpu.memory_space<vmem>>
      %dma_start3A_82 = tpu.memref_squeeze %dma_start3A_81 : memref<1x128xi32, #tpu.memory_space<vmem>> -> memref<128xi32, #tpu.memory_space<vmem>>
      %dma_start3A_83 = arith.constant 0 : i32
      %dma_start3A_84 = arith.constant 0 : i32
      %dma_start3A_85 = tpu.memref_slice %arg11[%dma_start3A_83, %dma_start3A_84] : memref<10240x128xf32, #tpu.memory_space<vmem_shared>> -> memref<10240x128xf32, #tpu.memory_space<vmem_shared>>
      tpu.enqueue_indirect_dma source(%arg8 : memref<128x128xf32, #tpu.memory_space<vmem>>) target(%dma_start3A_85 : memref<10240x128xf32, #tpu.memory_space<vmem_shared>>) offsets(%dma_start3A_82 : memref<128xi32, #tpu.memory_space<vmem>>) semaphore(%run_scoped3A_79 : memref<!tpu.dma_semaphore, #tpu.memory_space<semaphore_mem>>) {add = true}
      %dma_wait3A_86 = arith.constant 0 : i32
      %dma_wait3A_87 = tpu.memref_slice %arg7[%run_scoped3A_69, %dma_wait3A_86] : memref<40x128xi32, #tpu.memory_space<vmem>> -> memref<1x128xi32, #tpu.memory_space<vmem>>
      %dma_wait3A_88 = tpu.memref_squeeze %dma_wait3A_87 : memref<1x128xi32, #tpu.memory_space<vmem>> -> memref<128xi32, #tpu.memory_space<vmem>>
      %dma_wait3A_89 = arith.constant 0 : i32
      %dma_wait3A_90 = arith.constant 0 : i32
      %dma_wait3A_91 = tpu.memref_slice %arg11[%dma_wait3A_89, %dma_wait3A_90] : memref<10240x128xf32, #tpu.memory_space<vmem_shared>> -> memref<10240x128xf32, #tpu.memory_space<vmem_shared>>
      tpu.wait_indirect_dma semaphore(%run_scoped3A_79 : memref<!tpu.dma_semaphore, #tpu.memory_space<semaphore_mem>>) src(%arg8 : memref<128x128xf32, #tpu.memory_space<vmem>>) dst(%dma_wait3A_91 : memref<10240x128xf32, #tpu.memory_space<vmem_shared>>)
      tpu.yield
    }) : () -> ()
    %dma_wait3A_70 = arith.constant 39 : i32
    %dma_wait3A_71 = arith.constant 0 : i32
    %dma_wait3A_72 = tpu.memref_slice %arg6[%dma_wait3A_70, %dma_wait3A_71] : memref<40x128xi32, #tpu.memory_space<vmem>> -> memref<1x128xi32, #tpu.memory_space<vmem>>
    %dma_wait3A_73 = tpu.memref_squeeze %dma_wait3A_72 : memref<1x128xi32, #tpu.memory_space<vmem>> -> memref<128xi32, #tpu.memory_space<vmem>>
    %dma_wait3A_74 = arith.constant 0 : i32
    %dma_wait3A_75 = arith.constant 0 : i32
    %dma_wait3A_76 = tpu.memref_slice %arg4[%dma_wait3A_74, %dma_wait3A_75] : memref<10240x128xf32, #tpu.memory_space<hbm>> -> memref<10240x128xf32, #tpu.memory_space<hbm>>
    tpu.wait_indirect_dma semaphore(%arg13 : memref<!tpu.dma_semaphore, #tpu.memory_space<semaphore_mem>>) src(%dma_wait3A_76 : memref<10240x128xf32, #tpu.memory_space<hbm>>) dst(%arg9 : memref<128x128xf32, #tpu.memory_space<vmem>>)
    %run_scoped3A_77 = arith.constant 39 : i32
    "tpu.region"() ({
      %run_scoped3A_79 = tpu.sem_alloc : memref<!tpu.dma_semaphore, #tpu.memory_space<semaphore_mem>>
      %dma_start3A_80 = arith.constant 0 : i32
      %dma_start3A_81 = tpu.memref_slice %arg7[%run_scoped3A_77, %dma_start3A_80] : memref<40x128xi32, #tpu.memory_space<vmem>> -> memref<1x128xi32, #tpu.memory_space<vmem>>
      %dma_start3A_82 = tpu.memref_squeeze %dma_start3A_81 : memref<1x128xi32, #tpu.memory_space<vmem>> -> memref<128xi32, #tpu.memory_space<vmem>>
      %dma_start3A_83 = arith.constant 0 : i32
      %dma_start3A_84 = arith.constant 0 : i32
      %dma_start3A_85 = tpu.memref_slice %arg11[%dma_start3A_83, %dma_start3A_84] : memref<10240x128xf32, #tpu.memory_space<vmem_shared>> -> memref<10240x128xf32, #tpu.memory_space<vmem_shared>>
      tpu.enqueue_indirect_dma source(%arg9 : memref<128x128xf32, #tpu.memory_space<vmem>>) target(%dma_start3A_85 : memref<10240x128xf32, #tpu.memory_space<vmem_shared>>) offsets(%dma_start3A_82 : memref<128xi32, #tpu.memory_space<vmem>>) semaphore(%run_scoped3A_79 : memref<!tpu.dma_semaphore, #tpu.memory_space<semaphore_mem>>) {add = true}
      %dma_wait3A_86 = arith.constant 0 : i32
      %dma_wait3A_87 = tpu.memref_slice %arg7[%run_scoped3A_77, %dma_wait3A_86] : memref<40x128xi32, #tpu.memory_space<vmem>> -> memref<1x128xi32, #tpu.memory_space<vmem>>
      %dma_wait3A_88 = tpu.memref_squeeze %dma_wait3A_87 : memref<1x128xi32, #tpu.memory_space<vmem>> -> memref<128xi32, #tpu.memory_space<vmem>>
      %dma_wait3A_89 = arith.constant 0 : i32
      %dma_wait3A_90 = arith.constant 0 : i32
      %dma_wait3A_91 = tpu.memref_slice %arg11[%dma_wait3A_89, %dma_wait3A_90] : memref<10240x128xf32, #tpu.memory_space<vmem_shared>> -> memref<10240x128xf32, #tpu.memory_space<vmem_shared>>
      tpu.wait_indirect_dma semaphore(%run_scoped3A_79 : memref<!tpu.dma_semaphore, #tpu.memory_space<semaphore_mem>>) src(%arg9 : memref<128x128xf32, #tpu.memory_space<vmem>>) dst(%dma_wait3A_91 : memref<10240x128xf32, #tpu.memory_space<vmem_shared>>)
      tpu.yield
    }) : () -> ()
    %barrier3A_78 = arith.constant 0 : index
    tpu.barrier barrier_id(%barrier3A_78)
    "tpu.region"() ({
      %run_scoped3A_79 = tpu.sem_alloc : memref<!tpu.dma_semaphore, #tpu.memory_space<semaphore_mem>>
      %dma_start3A_80 = arith.constant 0 : i32
      %dma_start3A_81 = tpu.memref_slice %arg5[%arg0, %mul3A_0, %dma_start3A_80] : memref<2x10240x128xf32, #tpu.memory_space<hbm>> -> memref<1x640x128xf32, #tpu.memory_space<hbm>>
      %dma_start3A_82 = tpu.memref_squeeze %dma_start3A_81 : memref<1x640x128xf32, #tpu.memory_space<hbm>> -> memref<640x128xf32, #tpu.memory_space<hbm>>
      %dma_start3A_83 = arith.constant 0 : i32
      %dma_start3A_84 = tpu.memref_slice %arg11[%mul3A_0, %dma_start3A_83] : memref<10240x128xf32, #tpu.memory_space<vmem_shared>> -> memref<640x128xf32, #tpu.memory_space<vmem_shared>>
      tpu.enqueue_dma source(%dma_start3A_84 : memref<640x128xf32, #tpu.memory_space<vmem_shared>>) target(%dma_start3A_82 : memref<640x128xf32, #tpu.memory_space<hbm>>) target_semaphore(%run_scoped3A_79 : memref<!tpu.dma_semaphore, #tpu.memory_space<semaphore_mem>>)
      %dma_wait3A_85 = arith.constant 0 : i32
      %dma_wait3A_86 = tpu.memref_slice %arg5[%arg0, %mul3A_0, %dma_wait3A_85] : memref<2x10240x128xf32, #tpu.memory_space<hbm>> -> memref<1x640x128xf32, #tpu.memory_space<hbm>>
      %dma_wait3A_87 = tpu.memref_squeeze %dma_wait3A_86 : memref<1x640x128xf32, #tpu.memory_space<hbm>> -> memref<640x128xf32, #tpu.memory_space<hbm>>
      %dma_wait3A_88 = arith.constant 0 : i32
      %dma_wait3A_89 = tpu.memref_slice %arg11[%mul3A_0, %dma_wait3A_88] : memref<10240x128xf32, #tpu.memory_space<vmem_shared>> -> memref<640x128xf32, #tpu.memory_space<vmem_shared>>
      tpu.wait_dma2 semaphore(%run_scoped3A_79 : memref<!tpu.dma_semaphore, #tpu.memory_space<semaphore_mem>>) src(%dma_wait3A_89 : memref<640x128xf32, #tpu.memory_space<vmem_shared>>) dst(%dma_wait3A_87 : memref<640x128xf32, #tpu.memory_space<hbm>>)
      tpu.yield
    }) : () -> ()
    return
  }
}

module attributes {stable_mosaic.version = 14 : i64} {
  func.func @_matmul_scale_body(%arg0: i32, %arg1: memref<512x128xf32, #tpu.memory_space<vmem>>, %arg2: memref<128x128xf32, #tpu.memory_space<vmem>>, %arg3: memref<512x16xf32, #tpu.memory_space<vmem>>, %arg4: memref<512x16xf32, #tpu.memory_space<vmem>>, %arg5: memref<512x128xf32, #tpu.memory_space<vmem>>) attributes {dimension_semantics = [#tpu.dimension_semantics<arbitrary>], iteration_bounds = array<i64: 20>, scalar_prefetch = 0 : i64, scratch_operands = 0 : i64, tpu.core_type = #tpu.core_type<tc>, window_params = [{transform_indices = @transform_0, window_bounds = array<i64: 512, 128>}, {pipeline_mode = #tpu.pipeline_mode<synchronous>, transform_indices = @transform_1, window_bounds = array<i64: 128, 128>}, {transform_indices = @transform_2, window_bounds = array<i64: 512, 16>}, {transform_indices = @transform_3, window_bounds = array<i64: 512, 16>}, {transform_indices = @transform_4, window_bounds = array<i64: 512, 128>}]} {
    %get3A = arith.constant 0 : index
    %get3A_0 = arith.constant 0 : index
    %get3A_1 = vector.load %arg3[%get3A, %get3A_0] : memref<512x16xf32, #tpu.memory_space<vmem>>, vector<512x1xf32>
    %get3A_2 = arith.constant 0 : index
    %get3A_3 = arith.constant 0 : index
    %get3A_4 = vector.load %arg4[%get3A_2, %get3A_3] : memref<512x16xf32, #tpu.memory_space<vmem>>, vector<512x1xf32>
    %add3A = arith.addf %get3A_1, %get3A_4 : vector<512x1xf32>
    %add3A_5 = arith.constant 1.000000e+00 : f32
    %add3A_6 = vector.broadcast %add3A_5 : f32 to vector<512x1xf32>
    %add3A_7 = arith.addf %add3A, %add3A_6 : vector<512x1xf32>
    %get3A_8 = arith.constant 0 : index
    %get3A_9 = arith.constant 0 : index
    %get3A_10 = vector.load %arg1[%get3A_8, %get3A_9] : memref<512x128xf32, #tpu.memory_space<vmem>>, vector<512x128xf32>
    %get3A_11 = arith.constant 0 : index
    %get3A_12 = arith.constant 0 : index
    %get3A_13 = vector.load %arg2[%get3A_11, %get3A_12] : memref<128x128xf32, #tpu.memory_space<vmem>>, vector<128x128xf32>
    %dot_general3A = arith.constant dense<0.000000e+00> : vector<512x128xf32>
    %dot_general3A_14 = tpu.matmul %get3A_10, %get3A_13, %dot_general3A {dimension_numbers = #tpu.dot_dimension_numbers<[1], [0], [0], [1], [0, 0, 1, 1], [], []>, transpose_lhs_hint = false} : vector<512x128xf32>, vector<128x128xf32>, vector<512x128xf32> -> vector<512x128xf32>
    %rsqrt3A = math.rsqrt %add3A_7 : vector<512x1xf32>
    %mul3A = vector.broadcast %rsqrt3A : vector<512x1xf32> to vector<512x128xf32>
    %mul3A_15 = arith.mulf %dot_general3A_14, %mul3A : vector<512x128xf32>
    %swap3A = arith.constant 0 : index
    %swap3A_16 = arith.constant 0 : index
    %swap3A_17 = vector.load %arg5[%swap3A, %swap3A_16] : memref<512x128xf32, #tpu.memory_space<vmem>>, vector<512x128xf32>
    tpu.vector_store %arg5[%swap3A, %swap3A_16], %mul3A_15 {strides = array<i32>} : memref<512x128xf32, #tpu.memory_space<vmem>>, vector<512x128xf32>,
    return
  }
  func.func @transform_0(%arg0: i32) -> (i32, i32) {
    %c0_i32 = arith.constant 0 : i32
    %c0_i32_0 = arith.constant 0 : i32
    return %arg0, %c0_i32 : i32, i32
  }
  func.func @transform_1(%arg0: i32) -> (i32, i32) {
    %c0_i32 = arith.constant 0 : i32
    %c0_i32_0 = arith.constant 0 : i32
    %c0_i32_1 = arith.constant 0 : i32
    return %c0_i32, %c0_i32_0 : i32, i32
  }
  func.func @transform_2(%arg0: i32) -> (i32, i32) {
    %c0_i32 = arith.constant 0 : i32
    %c0_i32_0 = arith.constant 0 : i32
    return %arg0, %c0_i32 : i32, i32
  }
  func.func @transform_3(%arg0: i32) -> (i32, i32) {
    %c0_i32 = arith.constant 0 : i32
    %c0_i32_0 = arith.constant 0 : i32
    return %arg0, %c0_i32 : i32, i32
  }
  func.func @transform_4(%arg0: i32) -> (i32, i32) {
    %c0_i32 = arith.constant 0 : i32
    %c0_i32_0 = arith.constant 0 : i32
    return %arg0, %c0_i32 : i32, i32
  }
}

module attributes {stable_mosaic.version = 14 : i64} {
  func.func @_epilogue_body(%arg0: i32, %arg1: memref<512x128xf32, #tpu.memory_space<vmem>>, %arg2: memref<512x128xf32, #tpu.memory_space<vmem>>, %arg3: memref<512x128xf32, #tpu.memory_space<vmem>>, %arg4: memref<512x16xf32, #tpu.memory_space<vmem>>, %arg5: memref<512x16xf32, #tpu.memory_space<vmem>>, %arg6: memref<1x128xf32, #tpu.memory_space<vmem>>, %arg7: memref<512x128xf32, #tpu.memory_space<vmem>>) attributes {dimension_semantics = [#tpu.dimension_semantics<arbitrary>], iteration_bounds = array<i64: 20>, scalar_prefetch = 0 : i64, scratch_operands = 0 : i64, tpu.core_type = #tpu.core_type<tc>, window_params = [{transform_indices = @transform_0, window_bounds = array<i64: 512, 128>}, {transform_indices = @transform_1, window_bounds = array<i64: 512, 128>}, {transform_indices = @transform_2, window_bounds = array<i64: 512, 128>}, {transform_indices = @transform_3, window_bounds = array<i64: 512, 16>}, {transform_indices = @transform_4, window_bounds = array<i64: 512, 16>}, {pipeline_mode = #tpu.pipeline_mode<synchronous>, transform_indices = @transform_5, window_bounds = array<i64: 1, 128>}, {transform_indices = @transform_6, window_bounds = array<i64: 512, 128>}]} {
    %get3A = arith.constant 0 : index
    %get3A_0 = arith.constant 0 : index
    %get3A_1 = vector.load %arg4[%get3A, %get3A_0] : memref<512x16xf32, #tpu.memory_space<vmem>>, vector<512x1xf32>
    %get3A_2 = arith.constant 0 : index
    %get3A_3 = arith.constant 0 : index
    %get3A_4 = vector.load %arg5[%get3A_2, %get3A_3] : memref<512x16xf32, #tpu.memory_space<vmem>>, vector<512x1xf32>
    %add3A = arith.addf %get3A_1, %get3A_4 : vector<512x1xf32>
    %add3A_5 = arith.constant 1.000000e+00 : f32
    %add3A_6 = vector.broadcast %add3A_5 : f32 to vector<512x1xf32>
    %add3A_7 = arith.addf %add3A, %add3A_6 : vector<512x1xf32>
    %rsqrt3A = math.rsqrt %add3A_7 : vector<512x1xf32>
    %get3A_8 = arith.constant 0 : index
    %get3A_9 = arith.constant 0 : index
    %get3A_10 = vector.load %arg1[%get3A_8, %get3A_9] : memref<512x128xf32, #tpu.memory_space<vmem>>, vector<512x128xf32>
    %get3A_11 = arith.constant 0 : index
    %get3A_12 = arith.constant 0 : index
    %get3A_13 = vector.load %arg2[%get3A_11, %get3A_12] : memref<512x128xf32, #tpu.memory_space<vmem>>, vector<512x128xf32>
    %add3A_14 = arith.addf %get3A_10, %get3A_13 : vector<512x128xf32>
    %get3A_15 = arith.constant 0 : index
    %get3A_16 = arith.constant 0 : index
    %get3A_17 = vector.load %arg3[%get3A_15, %get3A_16] : memref<512x128xf32, #tpu.memory_space<vmem>>, vector<512x128xf32>
    %add3A_18 = arith.addf %add3A_14, %get3A_17 : vector<512x128xf32>
    %mul3A = vector.broadcast %rsqrt3A : vector<512x1xf32> to vector<512x128xf32>
    %mul3A_19 = arith.mulf %mul3A, %add3A_18 : vector<512x128xf32>
    %get3A_20 = arith.constant 0 : index
    %get3A_21 = arith.constant 0 : index
    %get3A_22 = vector.load %arg6[%get3A_20, %get3A_21] : memref<1x128xf32, #tpu.memory_space<vmem>>, vector<1x128xf32>
    %add3A_23 = vector.broadcast %get3A_22 : vector<1x128xf32> to vector<512x128xf32>
    %add3A_24 = arith.addf %mul3A_19, %add3A_23 : vector<512x128xf32>
    %swap3A = arith.constant 0 : index
    %swap3A_25 = arith.constant 0 : index
    %swap3A_26 = vector.load %arg7[%swap3A, %swap3A_25] : memref<512x128xf32, #tpu.memory_space<vmem>>, vector<512x128xf32>
    tpu.vector_store %arg7[%swap3A, %swap3A_25], %add3A_24 {strides = array<i32>} : memref<512x128xf32, #tpu.memory_space<vmem>>, vector<512x128xf32>,
    return
  }
  func.func @transform_0(%arg0: i32) -> (i32, i32) {
    %c0_i32 = arith.constant 0 : i32
    %c0_i32_0 = arith.constant 0 : i32
    return %arg0, %c0_i32 : i32, i32
  }
  func.func @transform_1(%arg0: i32) -> (i32, i32) {
    %c0_i32 = arith.constant 0 : i32
    %c0_i32_0 = arith.constant 0 : i32
    return %arg0, %c0_i32 : i32, i32
  }
  func.func @transform_2(%arg0: i32) -> (i32, i32) {
    %c0_i32 = arith.constant 0 : i32
    %c0_i32_0 = arith.constant 0 : i32
    return %arg0, %c0_i32 : i32, i32
  }
  func.func @transform_3(%arg0: i32) -> (i32, i32) {
    %c0_i32 = arith.constant 0 : i32
    %c0_i32_0 = arith.constant 0 : i32
    return %arg0, %c0_i32 : i32, i32
  }
  func.func @transform_4(%arg0: i32) -> (i32, i32) {
    %c0_i32 = arith.constant 0 : i32
    %c0_i32_0 = arith.constant 0 : i32
    return %arg0, %c0_i32 : i32, i32
  }
  func.func @transform_5(%arg0: i32) -> (i32, i32) {
    %c0_i32 = arith.constant 0 : i32
    %c0_i32_0 = arith.constant 0 : i32
    %c0_i32_1 = arith.constant 0 : i32
    return %c0_i32, %c0_i32_0 : i32, i32
  }
  func.func @transform_6(%arg0: i32) -> (i32, i32) {
    %c0_i32 = arith.constant 0 : i32
    %c0_i32_0 = arith.constant 0 : i32
    return %arg0, %c0_i32 : i32, i32
  }
}

</mosaic_0001>

<sc_bundles>
// kernel: kernel.6.cloned.1.call-start
scs
__scs_entry_jumppad:
0x0: {  	(pc) =	sbr.rel $0x88, $3  }
0x1: {  	(tag) =	ssettag $0x0;
	lr =	simm.s32 $0x1  }
0x2: {  	[smem:$0x3F9D] =	sst lr;
	_ =	strace $0xD0000000  }
0x3: {  	_ = 	snop  }
0x4: {  	_ = 	snop  }
0x5: {  	_ = 	snop  }
0x6: {  	_ = 	snop  }
0x7: {  	_ = 	snop  }
__scs_overlays_trampoline_lowered:
0x8: {  	[smem:$0x3FAC] =	sst s0  }
0x9: {  	[smem:$0x3FAD] =	sst s1  }
0xa: {  	[smem:$0x3FAE] =	sst s2  }
0xb: {  	[smem:$0x3FAF] =	sst s3  }
0xc: {  	[smem:$0x3FB0] =	sst s4  }
0xd: {  	[smem:$0x3FB1] =	sst s5  }
0xe: {  	[smem:$0x3FB2] =	sst s6  }
0xf: {  	[smem:$0x3FB3] =	sst s7  }
0x10: {  	[smem:$0x3FB4] =	sst s8  }
0x11: {  	[smem:$0x3FB5] =	sst s9;
	s0 =	simm.s32 @!p0 $0x0  }
0x12: {  	s1 =	sld [smem:$0x3F9B];
	s0 =	simm.s32 @p0 $0x1  }
0x13: {  	[smem:$0x3FB6] =	sst s0;
	s0 =	simm.s32 @!p1 $0x0  }
0x14: {  	s2 =	sld [smem:$0x3F9A];
	s0 =	simm.s32 @p1 $0x1  }
0x15: {  	[smem:$0x3FB7] =	sst s0;
	s0 =	simm.s32 @!p2 $0x0  }
0x16: {  	s3 =	sld [smem:$0x3FDB];
	s0 =	simm.s32 @p2 $0x1  }
0x17: {  	s4 =	simm.s32 $0x1BF5;
	[smem:$0x3FB9] =	sst s0  }
0x18: {  	s0 =	sld [smem:$0x3F9C];
	_ =	swait.ge [sflag:s4], $0x0  }
0x19: {  	s7 =	sld [smem:$0x3F9D]  }
0x1a: {  	s8 =	sadd.s32 $0xFFFFE003, lr  }
0x1b: {  	s9 =	sadd.s32 $0xFFFFFEF7, lr;
	s5 =	simm.s32 $0xFFFFFFFF;
	p2 =	slt.u32 s8, $0xFFFFF086  }
0x1c: {  	p1 =	slt.u32 s9, $0xF7A;
	s5 =	simm.s32 @!p2 $0x0  }
0x1d: {  	s5 =	simm.s32 @p1 $0x1;
	p0 =	seq.s32 s7, s2  }
0x1e: {  	s7 =	smul.u32 @!p0 $0xF7A, s2;
	p2 =	seq.s32 @!p0 s5, $0x0  }
0x1f: {  	s9 =	smul.u32 $0xF7A, s1;
	s8 =	simm.s32 @!p0 $0x1BF5;
	p2 =	por !p2, p0  }
0x20: {  	[sflag:s8] =	ssyncset.s32 @!p0 $0xFFFFF086;
	s6 =	sadd.s32 @!p0 s3, s7;
	s7 =	simm.s32 @!p0 $0x108  }
0x21: {  	s3 =	sadd.s32 s3, s9;
	s6 =	sadd.s32 @!p0 $0x88, s6;
	s7 =	simm.s32 @p2 $0x1082  }
0x22: {  	[simem:s7], [sflag:s8] =	dma.local @!p0 [hbm:s6], $0xF7A  }
0x23: {  	s9 =	sor.u32 $0xD0000000, s2;
	s6 =	simm.s32 $0x108;
	_ =	swait.ge @!p0 [sflag:s8], $0x0  }
0x24: {  	s3 =	sadd.s32 $0x88, s3;
	s6 =	simm.s32 @!p1 $0x1082;
	[sflag:s4] =	ssyncset.s32 $0xFFFFF086  }
0x25: {  	[simem:s6], [sflag:s4] =	dma.local [hbm:s3], $0xF7A  }
0x26: {  	[smem:$0x3F9D] =	sst s1;
	(tag) =	ssettag s2;
	_ =	strace s9  }
0x27: {  	s1 =	sld [smem:$0x3FAD]  }
0x28: {  	s2 =	sld [smem:$0x3FAE]  }
0x29: {  	s4 =	sld [smem:$0x3FB0]  }
0x2a: {  	p0 =	seq.s32 s5, $0x0;
	s5 =	sld [smem:$0x3FB1]  }
0x2b: {  	s6 =	sld [smem:$0x3FB2]  }
0x2c: {  	s7 =	sld [smem:$0x3FB3]  }
0x2d: {  	s3 =	simm.s32 $0x108;
	s8 =	sld [smem:$0x3FB4]  }
0x2e: {  	s3 =	simm.s32 @!p0 $0x1082;
	s9 =	sld [smem:$0x3FB5]  }
0x2f: {  	lr =	sadd.s32 s0, s3;
	s0 =	sld [smem:$0x3FAC]  }
0x30: {  	s3 =	sld [smem:$0x3FAF]  }
0x31: {  	[smem:$0x3FB8] =	sst s10  }
0x32: {  	s10 =	sld [smem:$0x3FB6];
	_ =	sdelay $0x3  }
0x33: {  	p0 =	seq.s32 s10, $0x1;
	s10 =	sld [smem:$0x3FB8];
	_ =	sdelay $0x3  }
0x34: {  	[smem:$0x3FB8] =	sst s10  }
0x35: {  	s10 =	sld [smem:$0x3FB7];
	_ =	sdelay $0x3  }
0x36: {  	p1 =	seq.s32 s10, $0x1;
	s10 =	sld [smem:$0x3FB8];
	_ =	sdelay $0x3  }
0x37: {  	[smem:$0x3FB8] =	sst s10  }
0x38: {  	s10 =	sld [smem:$0x3FB9]  }
0x39: {  	_ = 	snop;
	(pc) =	sbr.ind lr, $3  }
0x3a: {  	_ = 	snop  }
0x3b: {  	_ = 	snop  }
0x3c: {  	p2 =	seq.s32 s10, $0x1;
	s10 =	sld [smem:$0x3FB8]  }
0x3d: {  	_ =	shalt  }
0x3e: {  	_ =	shalt  }
0x3f: {  	_ =	shalt  }
0x40: {  	_ =	shalt  }
0x41: {  	_ =	shalt  }
0x42: {  	_ =	shalt  }
0x43: {  	_ =	shalt  }
0x44: {  	_ =	shalt  }
0x45: {  	_ =	shalt  }
0x46: {  	_ =	shalt  }
0x47: {  	_ =	shalt  }
0x48: {  	_ =	shalt  }
0x49: {  	_ =	shalt  }
0x4a: {  	_ =	shalt  }
0x4b: {  	_ =	shalt  }
0x4c: {  	_ =	shalt  }
0x4d: {  	_ =	shalt  }
0x4e: {  	_ =	shalt  }
0x4f: {  	_ =	shalt  }
0x50: {  	_ =	shalt  }
0x51: {  	_ =	shalt  }
0x52: {  	_ =	shalt  }
0x53: {  	_ =	shalt  }
0x54: {  	_ =	shalt  }
0x55: {  	_ =	shalt  }
0x56: {  	_ =	shalt  }
0x57: {  	_ =	shalt  }
0x58: {  	_ =	shalt  }
0x59: {  	_ =	shalt  }
0x5a: {  	_ =	shalt  }
0x5b: {  	_ =	shalt  }
0x5c: {  	_ =	shalt  }
0x5d: {  	_ =	shalt  }
0x5e: {  	_ =	shalt  }
0x5f: {  	_ =	shalt  }
0x60: {  	_ =	shalt  }
0x61: {  	_ =	shalt  }
0x62: {  	_ =	shalt  }
0x63: {  	_ =	shalt  }
0x64: {  	_ =	shalt  }
0x65: {  	_ =	shalt  }
0x66: {  	_ =	shalt  }
0x67: {  	_ =	shalt  }
0x68: {  	_ =	shalt  }
0x69: {  	_ =	shalt  }
0x6a: {  	_ =	shalt  }
0x6b: {  	_ =	shalt  }
0x6c: {  	_ =	shalt  }
0x6d: {  	_ =	shalt  }
0x6e: {  	_ =	shalt  }
0x6f: {  	_ =	shalt  }
0x70: {  	_ =	shalt  }
0x71: {  	_ =	shalt  }
0x72: {  	_ =	shalt  }
0x73: {  	_ =	shalt  }
0x74: {  	_ =	shalt  }
0x75: {  	_ =	shalt  }
0x76: {  	_ =	shalt  }
0x77: {  	_ =	shalt  }
0x78: {  	_ =	shalt  }
0x79: {  	_ =	shalt  }
0x7a: {  	_ =	shalt  }
0x7b: {  	_ =	shalt  }
0x7c: {  	_ =	shalt  }
0x7d: {  	_ =	shalt  }
0x7e: {  	_ =	shalt  }
0x7f: {  	_ =	shalt  }
0x80: {  	_ =	shalt  }
0x81: {  	_ =	shalt  }
0x82: {  	_ =	shalt  }
0x83: {  	_ =	shalt  }
0x84: {  	_ =	shalt  }
0x85: {  	_ =	shalt  }
0x86: {  	_ =	shalt  }
0x87: {  	_ =	shalt  }
.Lfunc_end0:
.L_simem_size_0:
called_computation_lowered:
.L_overlay_start_0:
0x88: {  	s2 =	sld [smem:$0x3FD9]  }
0x89: {  	s3 =	sld [smem:$0x3FFE];
	_ =	sdelay $0x1  }
0x8a: {  	s1 =	srdreg.scid  }
0x8b: {  	s0 =	sand.u32 $0x1, s1  }
0x8c: {  	s16 =	sshll.u32 s0, $0xA;
	s2 =	sadd.s32 s3, s2  }
0x8d: {  	s2 =	sadd.s32 s2, s16  }
0x8e: {  	[smem:$0x3FC4] =	sst s2  }
0x8f: {  	_ = 	snop  }
0x90: {  	(tm) =	ssettm $0x1  }
0x91: {  	s17 =	sld [smem:$0x3FFB];
	_ =	sdelay $0x3  }
0x92: {  	_ =	strace s17  }
0x93: {  	s2 =	sld [smem:$0x3FFC];
	_ =	sdelay $0x3  }
0x94: {  	_ =	strace s2  }
0x95: {  	s2 =	sld [smem:$0x3FFD];
	_ =	sdelay $0x3  }
0x96: {  	_ =	strace s2  }
0x97: {  	_ =	strace $0x8FFFFFFF  }
0x98: {  	s18 =	sld [smem:$0x3FDB];
	_ =	sdelay $0x1  }
0x99: {  	s19 =	simm.s32 $_scs_section_size  }
0x9a: {  	s4 =	simm.s32 $_size__tile_overlayer_lowered;
	s5 =	simm.s32 $_tile_overlayer_lowered  }
0x9b: {  	s22 =	simm.s32 $0x1BFF;
	s21 =	sshll.u32 s5, $0x1;
	s2 =	sadd.s32 s19, s18  }
0x9c: {  	s6 =	simm.s32 $0x0;
	s20 =	sshll.u32 s4, $0x1;
	s4 =	sadd.s32 s21, s2  }
0x9d: {  	[timem:s6], [sflag:s22] =	dma.local [hbm:s4], s20  }
0x9e: {  	_ =	swait.ge [sflag:s22], s20  }
0x9f: {  	s3 =	ssub.s32 $0x0, s20;
	[sflag:s22] =	ssyncset.done $0x0  }
0xa0: {  	[sflag:s22] =	ssyncadd.s32 s3;
	_ =	sdelay $0x1  }
0xa1: {  	s23 =	simm.s32 $0x1B8B  }
0xa2: {  	_ =	swait.ge [sflag:s23], $0x1  }
0xa3: {  	[sflag:s23] =	ssyncset.done $0x0  }
0xa4: {  	s25 =	simm.s32 $0x1B8E;
	s24 =	sld [smem:$0x3FFE];
	[sflag:s23] =	ssyncadd.s32 $0xFFFFFFFF  }
0xa5: {  	s26 =	simm.s32 $execute0_lowered;
	[smem:$0x3FD2] =	sst s25  }
0xa6: {  	s4 =	sshll.u32 s26, $0x1;
	_ =	strace $0x80000046;
	[dreg:$0x1] =	wrdreg $0xFFFFFFFF  }
0xa7: {  	s28 =	simm.s32 $_size_execute0_lowered;
	s2 =	sadd.s32 s2, s4;
	[dreg:$0x0] =	wrdreg $0x0  }
0xa8: {  	s4 =	sshll.u32 s28, $0x1;
	[dreg:$0x2] =	wrdreg s2  }
0xa9: {  	[dreg:$0x3] =	wrdreg s4  }
0xaa: {  	[dreg:$0x4] =	wrdreg $0xC0  }
0xab: {  	_ =	task [dreg:s6], $0x5FFFF  }
0xac: {  	[dreg:$0x1] =	wrdreg $0xFFFFFFFF  }
0xad: {  	[dreg:$0x0] =	wrdreg $0x60  }
0xae: {  	[dreg:$0x2] =	wrdreg s24  }
0xaf: {  	[dreg:$0x3] =	wrdreg $0x88000  }
0xb0: {  	[dreg:$0x4] =	wrdreg $0x9  }
0xb1: {  	_ =	task.clear_ibuf [dreg:s6], $0x5FFFF;
	_ =	strace $0x90000046  }
0xb2: {  	s29 =	simm.s32 $0x9;
	_ =	strace $0x80000048  }
0xb3: {  	_ =	swait.ge [sflag:s29], $0x1  }
0xb4: {  	[sflag:s29] =	ssyncadd.s32 $0xFFFFFFFF  }
0xb5: {  	_ =	strace $0x90000048  }
0xb6: {  	_ =	sfence  }
0xb7: {  	s30 =	sld [smem:$0x0];
	_ =	sdelay $0x2  }
0xb8: {  	s31 =	sshll.u32 s1, $0xD;
	s1 =	sshrl.u32 s1, $0x2  }
0xb9: {  	s3 =	sand.u32 $0x4000, s31;
	s1 =	sadd.s32 s1, s30  }
0xba: {  	s0 =	sor.u32 s3, s0;
	s1 =	sshll.u32 s1, $0x11  }
0xbb: {  	s0 =	sor.u32 s1, s0  }
0xbc: {  	s0 =	sadd.s32 $0x8F2B, s0  }
0xbd: {  	[sflag:s0] =	ssyncadd.remote.s32 $0x1  }
0xbe: {  	_ =	sfence.sel $0xFFFF  }
0xbf: {  	[dreg:$0x0] =	wrdreg $0xFFFFFFFF;
	(pc) =	sbr.abs _section_cstart, $3  }
0xc0: {  	[dreg:$0x1] =	wrdreg $0xFFFFFFFF  }
0xc1: {  	_ =	task.clear_ibuf [dreg:s6], $0x2FFFF;
	_ =	strace $0x9FFFFFFF  }
0xc2: {  	(tm) =	ssettm $0x7FFFFFFF  }
0xc3: {  	_ =	shalt  }
tec
execute0_lowered:
.L_overlay_start_1:
0x0: {  	(tag) =	ssettag $0x1  }
0x1: {  	s4 =	rddreg [dreg:$0x0]  }
0x2: {  	s0 =	srdreg.scid;
	s2 =	rddreg [dreg:$0x1]  }
0x3: {  	s1 =	rddreg [dreg:$0x2];
	s3 =	simm.s32 $0x0;
	s5 =	sand.u32 $0x1, s0  }
0x4: {  	s17 =	simm.s32 $0x6800;
	s0 =	stileid.u32;
	s6 =	smul.u32 $0x28000, s5  }
0x5: {  	s18 =	simm.s32 $0x2;
	s19 =	simm.s32 $0x80;
	s7 =	smul.u32 $0x2800, s0  }
0x6: {  	s20 =	simm.s32 $0x2800;
	s21 =	simm.s32 $0x1;
	s8 =	smul.u32 $0x140000, s5  }
0x7: {  	[smem:$0x7FF] =	sst s3;
	s29 =	smul.u32 $0x14000, s0;
	s5 =	ssub.s32 $0x2, s5  }
0x8: {  	_ =	strace $0x80000047;
	s30 =	smul.u32 $0x50000, s0;
	s9 =	sshrl.u32 s5, $0x1  }
0x9: {  	s6 =	sadd.s32 s7, s6;
	s7 =	sadd.s32 s29, s8;
	s9 =	ssub.s32 s5, s9  }
0xa: {  	s31 =	sshrl.u32 s30, $0x2;
	s6 =	sshrl.u32 s6, $0x3;
	s7 =	sshrl.u32 s7, $0x3  }
0xb: {  	s6 =	sadd.s32 s6, s4;
	s7 =	sadd.s32 s7, s4;
	s4 =	sadd.s32 s31, s2  }
0xc: {  	s5 =	sadd.s32 $0x1C00, s6;
	s6 =	sadd.s32 $0xBC00, s7;
	s7 =	smax.u32 s9, $0x1  }
0xd: {  	s8 =	sadd.s32 $0x2000, s4;
	s9 =	sadd.s32 $0x4000, s4;
	s10 =	sadd.s32 $0x6000, s4  }
0xe: {  	s11 =	sadd.s32 $0x8000, s4;
	s12 =	sadd.s32 $0xA000, s4;
	s13 =	sadd.s32 $0xC000, s4  }
0xf: {  	v0 =	vimm.f32 $1.000000000e+00;
	v1 =	vimm.f32 $0.0e+00;
	s14 =	sadd.s32 $0xE000, s4;
	s15 =	sadd.s32 $0x10000, s4;
	s16 =	sadd.s32 $0x12000, s4  }
.LBB2_1:
0x10: {  	s22 =	simm.s32 $0x0  }
.LBB2_2:
0x11: {  	p0 =	sne.s32 s22, $0xFE00  }
.Ltmp0:
0x12: {  	_ = 	snop;
	(pc) =	sbr.rel @p0 .LBB2_2-.Ltmp0, $3  }
0x13: {  	_ =	sdelay $0x1  }
0x14: {  	s23 =	sshra.s32 s22, $0x2  }
0x15: {  	s22 =	sadd.s32 $0x200, s22;
	[tilespmem:s23+$0x2800] =	vst v0  }
0x16: {  	s22 =	simm.s32 $0x200;
	s23 =	simm.s32 $0x0  }
.LBB2_4:
0x17: {  	p0 =	sne.s32 s22, $0x7E00;
	[tilespmem:s23+$0x6800] =	vst v1;
	s23 =	smov.u32 s22;
	s22 =	sadd.s32 $0x200, s22  }
.Ltmp1:
0x18: {  	(pc) =	sbr.rel @p0 .LBB2_4-.Ltmp1, $2  }
0x19: {  	_ =	sdelay $0x2  }
0x1a: {  	s23 =	sshra.s32 s23, $0x2  }
0x1b: {  	[tilespmem:s23+$0x6800] =	vst v1  }
0x1c: {  	[spmem:s4] =	stream.linear.scatter [tilespmem:s17], [sflag:$0x2], $0x2000, $0x38;
	[tilespmem:$0xB000] =	vst v63  }
0x1d: {  	_ =	swait.ge [sflag:s18], $0x2000  }
0x1e: {  	[sflag:s18] =	ssyncset.done $0x0  }
0x1f: {  	[sflag:s18] =	ssyncadd.s32 $0xFFFFE000  }
0x20: {  	[spmem:s8] =	stream.linear.scatter [tilespmem:s17], [sflag:$0x2], $0x2000, $0x38;
	[tilespmem:$0xB000] =	vst v63  }
0x21: {  	_ =	swait.ge [sflag:s18], $0x2000  }
0x22: {  	[sflag:s18] =	ssyncset.done $0x0  }
0x23: {  	[sflag:s18] =	ssyncadd.s32 $0xFFFFE000  }
0x24: {  	[spmem:s9] =	stream.linear.scatter [tilespmem:s17], [sflag:$0x2], $0x2000, $0x38;
	[tilespmem:$0xB000] =	vst v63  }
0x25: {  	_ =	swait.ge [sflag:s18], $0x2000  }
0x26: {  	[sflag:s18] =	ssyncset.done $0x0  }
0x27: {  	[sflag:s18] =	ssyncadd.s32 $0xFFFFE000  }
0x28: {  	[spmem:s10] =	stream.linear.scatter [tilespmem:s17], [sflag:$0x2], $0x2000, $0x38;
	[tilespmem:$0xB000] =	vst v63  }
0x29: {  	_ =	swait.ge [sflag:s18], $0x2000  }
0x2a: {  	[sflag:s18] =	ssyncset.done $0x0  }
0x2b: {  	[sflag:s18] =	ssyncadd.s32 $0xFFFFE000  }
0x2c: {  	[spmem:s11] =	stream.linear.scatter [tilespmem:s17], [sflag:$0x2], $0x2000, $0x38;
	[tilespmem:$0xB000] =	vst v63  }
0x2d: {  	_ =	swait.ge [sflag:s18], $0x2000  }
0x2e: {  	[sflag:s18] =	ssyncset.done $0x0  }
0x2f: {  	[sflag:s18] =	ssyncadd.s32 $0xFFFFE000  }
0x30: {  	[spmem:s12] =	stream.linear.scatter [tilespmem:s17], [sflag:$0x2], $0x2000, $0x38;
	[tilespmem:$0xB000] =	vst v63  }
0x31: {  	_ =	swait.ge [sflag:s18], $0x2000  }
0x32: {  	[sflag:s18] =	ssyncset.done $0x0  }
0x33: {  	[sflag:s18] =	ssyncadd.s32 $0xFFFFE000  }
0x34: {  	[spmem:s13] =	stream.linear.scatter [tilespmem:s17], [sflag:$0x2], $0x2000, $0x38;
	[tilespmem:$0xB000] =	vst v63  }
0x35: {  	_ =	swait.ge [sflag:s18], $0x2000  }
0x36: {  	[sflag:s18] =	ssyncset.done $0x0  }
0x37: {  	[sflag:s18] =	ssyncadd.s32 $0xFFFFE000  }
0x38: {  	[spmem:s14] =	stream.linear.scatter [tilespmem:s17], [sflag:$0x2], $0x2000, $0x38;
	[tilespmem:$0xB000] =	vst v63  }
0x39: {  	_ =	swait.ge [sflag:s18], $0x2000  }
0x3a: {  	[sflag:s18] =	ssyncset.done $0x0  }
0x3b: {  	[sflag:s18] =	ssyncadd.s32 $0xFFFFE000  }
0x3c: {  	[spmem:s15] =	stream.linear.scatter [tilespmem:s17], [sflag:$0x2], $0x2000, $0x38;
	[tilespmem:$0xB000] =	vst v63  }
0x3d: {  	_ =	swait.ge [sflag:s18], $0x2000  }
0x3e: {  	[sflag:s18] =	ssyncset.done $0x0  }
0x3f: {  	[sflag:s18] =	ssyncadd.s32 $0xFFFFE000  }
0x40: {  	[spmem:s16] =	stream.linear.scatter [tilespmem:s17], [sflag:$0x2], $0x2000, $0x38;
	[tilespmem:$0xB000] =	vst v63  }
0x41: {  	_ =	swait.ge [sflag:s18], $0x2000  }
0x42: {  	[sflag:s18] =	ssyncset.done $0x0  }
0x43: {  	s22 =	simm.s32 $0x0;
	[sflag:s18] =	ssyncadd.s32 $0xFFFFE000  }
0x44: {  	[tilespmem:s22], [sflag:$0x2] =	stream.linear.gather [hbm4b:s5+s22], $0x2800, $0x38;
	[tilespmem:$0xB000] =	vst v63  }
0x45: {  	_ =	swait.ge [sflag:s18], $0x2800  }
0x46: {  	[sflag:s18] =	ssyncset.done $0x0  }
0x47: {  	[sflag:s18] =	ssyncadd.s32 $0xFFFFD800  }
0x48: {  	[bflag:$0x0] =	sbarrier.arrive $0xFFFF  }
.LBB2_6:
0x49: {  	p0 =	sne.s32 s22, $0x9E00  }
.Ltmp2:
0x4a: {  	_ = 	snop;
	(pc) =	sbr.rel @p0 .LBB2_6-.Ltmp2, $3  }
0x4b: {  	_ =	sdelay $0x1  }
0x4c: {  	s23 =	sshra.s32 s22, $0x2;
	s22 =	sadd.s32 $0x200, s22  }
0x4d: {  	[spmem:s2] =	stream.indirect.scatter.add.f32 [tilespmem:s20], [sflag:$0x1], $0x10, s23, s19, $0xb8;
	[tilespmem:$0xB000] =	vst v63  }
0x4e: {  	_ =	swait.ge [sflag:s21], $0x800  }
0x4f: {  	s22 =	simm.s32 $0x4F;
	[sflag:s21] =	ssyncset.done $0x0  }
.LBB2_8:
0x50: {  	p0 =	sne.s32 s22, $0x1;
	s22 =	sadd.s32 $0xFFFFFFFF, s22;
	[sflag:s21] =	ssyncadd.s32 $0xFFFFF800  }
.Ltmp3:
0x51: {  	(pc) =	sbr.rel @p0 .LBB2_8-.Ltmp3, $3  }
0x52: {  	_ =	sdelay $0x1  }
0x53: {  	_ =	swait.ge [sflag:s21], $0x800  }
0x54: {  	[sflag:s21] =	ssyncset.done $0x0  }
0x55: {  	[sflag:s21] =	ssyncadd.s32 $0xFFFFF800;
	s3 =	sadd.s32 $0x1, s3  }
0x56: {  	s22 =	sshll.u32 s0, $0x6;
	s23 =	sshrl.u32 s4, $0x3;
	p0 =	sne.s32 s3, s7  }
.Ltmp4:
0x57: {  	[bflag:$0x0] =	sbarrier.arrive $0xFFFF;
	s22 =	sor.u32 $0x1C02, s22;
	(pc) =	sbr.rel @p0 .LBB2_1-.Ltmp4, $4  }
0x58: {  	[hbm:s6], [sflag:s22] =	dma.local [spmem:s23], $0x2800  }
0x59: {  	_ =	swait.ge [sflag:s18], $0x2800  }
0x5a: {  	[sflag:s18] =	ssyncset.done $0x0  }
0x5b: {  	[sflag:s18] =	ssyncadd.s32 $0xFFFFD800  }
0x5c: {  	_ =	sfence.sel $0x180000  }
0x5d: {  	[bflag:$0x0] =	sbarrier.arrive $0xFFFF  }
0x5e: {  	p0 =	sne.s32 s0, $0x0;
	_ =	strace $0x90000047  }
0x5f: {  	s0 =	sadd.s32 @!p0 $0x100000, s1;
	[bflag:$0x2] =	sbarrier.arrive $0xFFFF  }
0x60: {  	[sflag:s0] =	ssyncadd.tile.s32 @!p0 $0x1;
	_ =	shalt  }
.Lfunc_end2:
_tile_overlayer_lowered:
.L_overlay_start_2:
0x61: {  	(tag) =	ssettag $0x2  }
0x62: {  	s0 =	rddreg [dreg:$0x0];
	s2 =	stileid.u32  }
0x63: {  	s1 =	rddreg [dreg:$0x1];
	p0 =	sne.s32 s2, $0x0  }
0x64: {  	s3 =	rddreg [dreg:$0x2];
	[bflag:$0x3] =	sbarrier.arrive $0xFFFF;
	s2 =	simm.s32 @!p0 $0x1C02  }
0x65: {  	[timem:s3], [sflag:s2] =	dma.local @!p0 [hbm:s0], s1  }
0x66: {  	s0 =	simm.s32 @!p0 $0x2  }
0x67: {  	_ =	swait.ge @!p0 [sflag:s0], s1  }
0x68: {  	s1 =	ssub.s32 @!p0 $0x0, s1;
	[sflag:s0] =	ssyncset.done @!p0 $0x0  }
0x69: {  	[sflag:s0] =	ssyncadd.s32 @!p0 s1  }
0x6a: {  	[bflag:$0x3] =	sbarrier.arrive $0xFFFF  }
0x6b: {  	_ =	shalt  }

// kernel: kernel.9.cloned.1.call-start
scs
__scs_entry_jumppad:
0x0: {  	(pc) =	sbr.rel $0x88, $3  }
0x1: {  	(tag) =	ssettag $0x0;
	lr =	simm.s32 $0x1  }
0x2: {  	[smem:$0x3F9D] =	sst lr;
	_ =	strace $0xD0000000  }
0x3: {  	_ = 	snop  }
0x4: {  	_ = 	snop  }
0x5: {  	_ = 	snop  }
0x6: {  	_ = 	snop  }
0x7: {  	_ = 	snop  }
__scs_overlays_trampoline_lowered:
0x8: {  	[smem:$0x3FAC] =	sst s0  }
0x9: {  	[smem:$0x3FAD] =	sst s1  }
0xa: {  	[smem:$0x3FAE] =	sst s2  }
0xb: {  	[smem:$0x3FAF] =	sst s3  }
0xc: {  	[smem:$0x3FB0] =	sst s4  }
0xd: {  	[smem:$0x3FB1] =	sst s5  }
0xe: {  	[smem:$0x3FB2] =	sst s6  }
0xf: {  	[smem:$0x3FB3] =	sst s7  }
0x10: {  	[smem:$0x3FB4] =	sst s8  }
0x11: {  	[smem:$0x3FB5] =	sst s9;
	s0 =	simm.s32 @!p0 $0x0  }
0x12: {  	s1 =	sld [smem:$0x3F9B];
	s0 =	simm.s32 @p0 $0x1  }
0x13: {  	[smem:$0x3FB6] =	sst s0;
	s0 =	simm.s32 @!p1 $0x0  }
0x14: {  	s2 =	sld [smem:$0x3F9A];
	s0 =	simm.s32 @p1 $0x1  }
0x15: {  	[smem:$0x3FB7] =	sst s0;
	s0 =	simm.s32 @!p2 $0x0  }
0x16: {  	s3 =	sld [smem:$0x3FDB];
	s0 =	simm.s32 @p2 $0x1  }
0x17: {  	s4 =	simm.s32 $0x1BF5;
	[smem:$0x3FB9] =	sst s0  }
0x18: {  	s0 =	sld [smem:$0x3F9C];
	_ =	swait.ge [sflag:s4], $0x0  }
0x19: {  	s7 =	sld [smem:$0x3F9D]  }
0x1a: {  	s8 =	sadd.s32 $0xFFFFE003, lr  }
0x1b: {  	s9 =	sadd.s32 $0xFFFFFEF7, lr;
	s5 =	simm.s32 $0xFFFFFFFF;
	p2 =	slt.u32 s8, $0xFFFFF086  }
0x1c: {  	p1 =	slt.u32 s9, $0xF7A;
	s5 =	simm.s32 @!p2 $0x0  }
0x1d: {  	s5 =	simm.s32 @p1 $0x1;
	p0 =	seq.s32 s7, s2  }
0x1e: {  	s7 =	smul.u32 @!p0 $0xF7A, s2;
	p2 =	seq.s32 @!p0 s5, $0x0  }
0x1f: {  	s9 =	smul.u32 $0xF7A, s1;
	s8 =	simm.s32 @!p0 $0x1BF5;
	p2 =	por !p2, p0  }
0x20: {  	[sflag:s8] =	ssyncset.s32 @!p0 $0xFFFFF086;
	s6 =	sadd.s32 @!p0 s3, s7;
	s7 =	simm.s32 @!p0 $0x108  }
0x21: {  	s3 =	sadd.s32 s3, s9;
	s6 =	sadd.s32 @!p0 $0x88, s6;
	s7 =	simm.s32 @p2 $0x1082  }
0x22: {  	[simem:s7], [sflag:s8] =	dma.local @!p0 [hbm:s6], $0xF7A  }
0x23: {  	s9 =	sor.u32 $0xD0000000, s2;
	s6 =	simm.s32 $0x108;
	_ =	swait.ge @!p0 [sflag:s8], $0x0  }
0x24: {  	s3 =	sadd.s32 $0x88, s3;
	s6 =	simm.s32 @!p1 $0x1082;
	[sflag:s4] =	ssyncset.s32 $0xFFFFF086  }
0x25: {  	[simem:s6], [sflag:s4] =	dma.local [hbm:s3], $0xF7A  }
0x26: {  	[smem:$0x3F9D] =	sst s1;
	(tag) =	ssettag s2;
	_ =	strace s9  }
0x27: {  	s1 =	sld [smem:$0x3FAD]  }
0x28: {  	s2 =	sld [smem:$0x3FAE]  }
0x29: {  	s4 =	sld [smem:$0x3FB0]  }
0x2a: {  	p0 =	seq.s32 s5, $0x0;
	s5 =	sld [smem:$0x3FB1]  }
0x2b: {  	s6 =	sld [smem:$0x3FB2]  }
0x2c: {  	s7 =	sld [smem:$0x3FB3]  }
0x2d: {  	s3 =	simm.s32 $0x108;
	s8 =	sld [smem:$0x3FB4]  }
0x2e: {  	s3 =	simm.s32 @!p0 $0x1082;
	s9 =	sld [smem:$0x3FB5]  }
0x2f: {  	lr =	sadd.s32 s0, s3;
	s0 =	sld [smem:$0x3FAC]  }
0x30: {  	s3 =	sld [smem:$0x3FAF]  }
0x31: {  	[smem:$0x3FB8] =	sst s10  }
0x32: {  	s10 =	sld [smem:$0x3FB6];
	_ =	sdelay $0x3  }
0x33: {  	p0 =	seq.s32 s10, $0x1;
	s10 =	sld [smem:$0x3FB8];
	_ =	sdelay $0x3  }
0x34: {  	[smem:$0x3FB8] =	sst s10  }
0x35: {  	s10 =	sld [smem:$0x3FB7];
	_ =	sdelay $0x3  }
0x36: {  	p1 =	seq.s32 s10, $0x1;
	s10 =	sld [smem:$0x3FB8];
	_ =	sdelay $0x3  }
0x37: {  	[smem:$0x3FB8] =	sst s10  }
0x38: {  	s10 =	sld [smem:$0x3FB9]  }
0x39: {  	_ = 	snop;
	(pc) =	sbr.ind lr, $3  }
0x3a: {  	_ = 	snop  }
0x3b: {  	_ = 	snop  }
0x3c: {  	p2 =	seq.s32 s10, $0x1;
	s10 =	sld [smem:$0x3FB8]  }
0x3d: {  	_ =	shalt  }
0x3e: {  	_ =	shalt  }
0x3f: {  	_ =	shalt  }
0x40: {  	_ =	shalt  }
0x41: {  	_ =	shalt  }
0x42: {  	_ =	shalt  }
0x43: {  	_ =	shalt  }
0x44: {  	_ =	shalt  }
0x45: {  	_ =	shalt  }
0x46: {  	_ =	shalt  }
0x47: {  	_ =	shalt  }
0x48: {  	_ =	shalt  }
0x49: {  	_ =	shalt  }
0x4a: {  	_ =	shalt  }
0x4b: {  	_ =	shalt  }
0x4c: {  	_ =	shalt  }
0x4d: {  	_ =	shalt  }
0x4e: {  	_ =	shalt  }
0x4f: {  	_ =	shalt  }
0x50: {  	_ =	shalt  }
0x51: {  	_ =	shalt  }
0x52: {  	_ =	shalt  }
0x53: {  	_ =	shalt  }
0x54: {  	_ =	shalt  }
0x55: {  	_ =	shalt  }
0x56: {  	_ =	shalt  }
0x57: {  	_ =	shalt  }
0x58: {  	_ =	shalt  }
0x59: {  	_ =	shalt  }
0x5a: {  	_ =	shalt  }
0x5b: {  	_ =	shalt  }
0x5c: {  	_ =	shalt  }
0x5d: {  	_ =	shalt  }
0x5e: {  	_ =	shalt  }
0x5f: {  	_ =	shalt  }
0x60: {  	_ =	shalt  }
0x61: {  	_ =	shalt  }
0x62: {  	_ =	shalt  }
0x63: {  	_ =	shalt  }
0x64: {  	_ =	shalt  }
0x65: {  	_ =	shalt  }
0x66: {  	_ =	shalt  }
0x67: {  	_ =	shalt  }
0x68: {  	_ =	shalt  }
0x69: {  	_ =	shalt  }
0x6a: {  	_ =	shalt  }
0x6b: {  	_ =	shalt  }
0x6c: {  	_ =	shalt  }
0x6d: {  	_ =	shalt  }
0x6e: {  	_ =	shalt  }
0x6f: {  	_ =	shalt  }
0x70: {  	_ =	shalt  }
0x71: {  	_ =	shalt  }
0x72: {  	_ =	shalt  }
0x73: {  	_ =	shalt  }
0x74: {  	_ =	shalt  }
0x75: {  	_ =	shalt  }
0x76: {  	_ =	shalt  }
0x77: {  	_ =	shalt  }
0x78: {  	_ =	shalt  }
0x79: {  	_ =	shalt  }
0x7a: {  	_ =	shalt  }
0x7b: {  	_ =	shalt  }
0x7c: {  	_ =	shalt  }
0x7d: {  	_ =	shalt  }
0x7e: {  	_ =	shalt  }
0x7f: {  	_ =	shalt  }
0x80: {  	_ =	shalt  }
0x81: {  	_ =	shalt  }
0x82: {  	_ =	shalt  }
0x83: {  	_ =	shalt  }
0x84: {  	_ =	shalt  }
0x85: {  	_ =	shalt  }
0x86: {  	_ =	shalt  }
0x87: {  	_ =	shalt  }
.Lfunc_end0:
.L_simem_size_0:
called_computation.1_lowered:
.L_overlay_start_0:
0x88: {  	s2 =	sld [smem:$0x3FD9]  }
0x89: {  	s3 =	sld [smem:$0x3FFE];
	_ =	sdelay $0x1  }
0x8a: {  	s1 =	srdreg.scid  }
0x8b: {  	s0 =	sand.u32 $0x1, s1  }
0x8c: {  	s17 =	sshll.u32 s0, $0xA;
	s2 =	sadd.s32 s3, s2  }
0x8d: {  	s2 =	sadd.s32 s2, s17  }
0x8e: {  	[smem:$0x3FC4] =	sst s2  }
0x8f: {  	_ = 	snop  }
0x90: {  	s2 =	sld [smem:$0x3FD0];
	(tm) =	ssettm $0x1  }
0x91: {  	s18 =	sld [smem:$0x3FFB];
	_ =	sdelay $0x3  }
0x92: {  	_ =	strace s18  }
0x93: {  	s3 =	sld [smem:$0x3FFC];
	_ =	sdelay $0x3  }
0x94: {  	_ =	strace s3  }
0x95: {  	s3 =	sld [smem:$0x3FFD];
	_ =	sdelay $0x3  }
0x96: {  	_ =	strace s3  }
0x97: {  	_ =	strace $0x8FFFFFFF  }
0x98: {  	s19 =	sld [smem:$0x3FDB];
	_ =	sdelay $0x1  }
0x99: {  	s4 =	simm.s32 $_scs_section_size  }
0x9a: {  	s5 =	simm.s32 $_size__tile_overlayer_lowered;
	s6 =	simm.s32 $_tile_overlayer_lowered  }
0x9b: {  	s22 =	simm.s32 $0x1BFF;
	s21 =	sshll.u32 s6, $0x1;
	s3 =	sadd.s32 s4, s19  }
0x9c: {  	s7 =	simm.s32 $0x0;
	s20 =	sshll.u32 s5, $0x1;
	s5 =	sadd.s32 s21, s3  }
0x9d: {  	[timem:s7], [sflag:s22] =	dma.local [hbm:s5], s20  }
0x9e: {  	_ =	swait.ge [sflag:s22], s20  }
0x9f: {  	s4 =	ssub.s32 $0x0, s20;
	[sflag:s22] =	ssyncset.done $0x0  }
0xa0: {  	[sflag:s22] =	ssyncadd.s32 s4;
	_ =	sdelay $0x1  }
0xa1: {  	s23 =	simm.s32 $0x1B8B  }
0xa2: {  	_ =	swait.ge [sflag:s23], $0x1  }
0xa3: {  	[sflag:s23] =	ssyncset.done $0x0  }
0xa4: {  	s25 =	simm.s32 $0x1B8E;
	s24 =	sld [smem:$0x3FFE];
	[sflag:s23] =	ssyncadd.s32 $0xFFFFFFFF  }
0xa5: {  	s26 =	simm.s32 $execute0_lowered;
	[smem:$0x3FD2] =	sst s25  }
0xa6: {  	s5 =	sshll.u32 s26, $0x1;
	_ =	strace $0x80000049;
	[dreg:$0x1] =	wrdreg $0xFFFFFFFF  }
0xa7: {  	s28 =	simm.s32 $_size_execute0_lowered;
	s3 =	sadd.s32 s3, s5;
	[dreg:$0x0] =	wrdreg $0x0  }
0xa8: {  	s5 =	sshll.u32 s28, $0x1;
	[dreg:$0x2] =	wrdreg s3  }
0xa9: {  	[dreg:$0x3] =	wrdreg s5  }
0xaa: {  	[dreg:$0x4] =	wrdreg $0xC0  }
0xab: {  	_ =	task [dreg:s7], $0x5FFFF  }
0xac: {  	[dreg:$0x1] =	wrdreg $0xFFFFFFFF  }
0xad: {  	[dreg:$0x0] =	wrdreg $0x60  }
0xae: {  	[dreg:$0x2] =	wrdreg s24  }
0xaf: {  	[dreg:$0x3] =	wrdreg s2  }
0xb0: {  	[dreg:$0x4] =	wrdreg $0xB8000  }
0xb1: {  	[dreg:$0x5] =	wrdreg $0x9  }
0xb2: {  	_ =	task.clear_ibuf [dreg:s7], $0x6FFFF;
	_ =	strace $0x90000049  }
0xb3: {  	s29 =	simm.s32 $0x9;
	_ =	strace $0x8000004B  }
0xb4: {  	_ =	swait.ge [sflag:s29], $0x1  }
0xb5: {  	[sflag:s29] =	ssyncadd.s32 $0xFFFFFFFF  }
0xb6: {  	_ =	strace $0x9000004B  }
0xb7: {  	_ =	sfence  }
0xb8: {  	s30 =	sld [smem:$0x0];
	_ =	sdelay $0x2  }
0xb9: {  	s31 =	sshll.u32 s1, $0xD;
	s1 =	sshrl.u32 s1, $0x2  }
0xba: {  	s3 =	sand.u32 $0x4000, s31;
	s1 =	sadd.s32 s1, s30  }
0xbb: {  	s0 =	sor.u32 s3, s0;
	s1 =	sshll.u32 s1, $0x11  }
0xbc: {  	s0 =	sor.u32 s1, s0  }
0xbd: {  	s0 =	sadd.s32 $0x8F2B, s0  }
0xbe: {  	[sflag:s0] =	ssyncadd.remote.s32 $0x1  }
0xbf: {  	_ =	sfence.sel $0xFFFF  }
0xc0: {  	[dreg:$0x0] =	wrdreg $0xFFFFFFFF;
	(pc) =	sbr.abs _section_cstart, $3  }
0xc1: {  	[dreg:$0x1] =	wrdreg $0xFFFFFFFF  }
0xc2: {  	_ =	task.clear_ibuf [dreg:s7], $0x2FFFF;
	_ =	strace $0x9FFFFFFF  }
0xc3: {  	(tm) =	ssettm $0x7FFFFFFF  }
tec
execute0_lowered:
.L_overlay_start_1:
0x0: {  	(tag) =	ssettag $0x1  }
0x1: {  	s0 =	rddreg [dreg:$0x0]  }
0x2: {  	s1 =	rddreg [dreg:$0x1]  }
0x3: {  	s3 =	srdreg.scid;
	s10 =	stileid.u32  }
0x4: {  	s2 =	rddreg [dreg:$0x2];
	s11 =	simm.s32 $0x2;
	s6 =	smul.u32 $0x14000, s10  }
0x5: {  	s12 =	simm.s32 $0x2700;
	s13 =	simm.s32 $0x2780;
	s7 =	smul.u32 $0x50000, s10  }
0x6: {  	s5 =	sand.u32 $0x1, s3;
	s3 =	simm.s32 $0x0;
	s10 =	smul.u32 $0x2800, s10  }
0x7: {  	s8 =	sadd.s32 $0x1C00, s0;
	s4 =	smul.u32 $0x140000, s5;
	[smem:$0x7FF] =	sst s3  }
0x8: {  	s16 =	smul.u32 $0x28000, s5;
	s5 =	ssub.s32 $0x2, s5;
	_ =	strace $0x8000004A  }
0x9: {  	s17 =	sshrl.u32 s5, $0x1;
	s7 =	sshrl.u32 s7, $0x2;
	s4 =	sadd.s32 s6, s4  }
0xa: {  	s6 =	sadd.s32 s10, s16;
	s10 =	simm.s32 $0x1;
	s9 =	sshrl.u32 s4, $0x3  }
0xb: {  	s4 =	sadd.s32 $0x5BC00, s0;
	s6 =	sshrl.u32 s6, $0x3;
	s0 =	sadd.s32 s9, s0  }
0xc: {  	s9 =	ssub.s32 s5, s17;
	s5 =	sadd.s32 s7, s2;
	s18 =	sadd.s32 s8, s6  }
0xd: {  	s19 =	sadd.s32 s1, s6;
	s6 =	sadd.s32 $0x280, s6;
	[dreg:$0x4] =	wrdreg s18  }
0xe: {  	s7 =	simm.s32 $0x80;
	[dreg:$0x5] =	wrdreg s19;
	s20 =	sadd.s32 s8, s6  }
0xf: {  	s1 =	sadd.s32 s1, s6;
	s0 =	sadd.s32 $0x83C00, s0;
	[dreg:$0x6] =	wrdreg s20  }
0x10: {  	s21 =	smax.u32 s9, $0x1;
	s22 =	sadd.s32 $0x1000, s5;
	[dreg:$0x7] =	wrdreg s1  }
0x11: {  	s23 =	sadd.s32 $0x2000, s5;
	s24 =	sadd.s32 $0x3000, s5;
	[dreg:$0x8] =	wrdreg s0  }
0x12: {  	s25 =	sadd.s32 $0x4000, s5;
	s26 =	sadd.s32 $0x5000, s5;
	[dreg:$0x9] =	wrdreg s21  }
0x13: {  	s17 =	sadd.s32 $0x6000, s5;
	s18 =	sadd.s32 $0x7000, s5;
	[dreg:$0xa] =	wrdreg s22  }
0x14: {  	s19 =	sadd.s32 $0x8000, s5;
	s28 =	sadd.s32 $0x10000, s5;
	[dreg:$0xb] =	wrdreg s23  }
0x15: {  	s29 =	sadd.s32 $0x11000, s5;
	s30 =	sadd.s32 $0x12000, s5;
	[dreg:$0xc] =	wrdreg s24  }
0x16: {  	s31 =	sadd.s32 $0x13000, s5;
	s6 =	simm.s32 $0x1400;
	[dreg:$0xd] =	wrdreg s25  }
0x17: {  	s8 =	simm.s32 $0x2800;
	s9 =	simm.s32 $0x6800;
	[dreg:$0xe] =	wrdreg s26  }
0x18: {  	s20 =	sadd.s32 $0x9000, s5;
	s21 =	sadd.s32 $0xA000, s5;
	s22 =	sadd.s32 $0xB000, s5  }
0x19: {  	s23 =	sadd.s32 $0xC000, s5;
	s24 =	sadd.s32 $0xD000, s5;
	s25 =	sadd.s32 $0xE000, s5  }
0x1a: {  	v0 =	vimm.f32 $0.0e+00;
	s26 =	sadd.s32 $0xF000, s5;
	s0 =	simm.s32 $0xA800;
	s1 =	simm.s32 $0x3  }
.LBB2_1:
0x1b: {  	s14 =	simm.s32 $0x0;
	s15 =	simm.s32 $0x200  }
.LBB2_2:
0x1c: {  	p0 =	sne.s32 s15, $0x3E00;
	[tilespmem:s14+$0xA870] =	vst v0  }
0x1d: {  	[tilespmem:s14+$0xA800] =	vst v0  }
0x1e: {  	[tilespmem:s14+$0xA810] =	vst v0  }
.Ltmp0:
0x1f: {  	[tilespmem:s14+$0xA820] =	vst v0;
	(pc) =	sbr.rel @p0 .LBB2_2-.Ltmp0, $4  }
0x20: {  	[tilespmem:s14+$0xA830] =	vst v0  }
0x21: {  	[tilespmem:s14+$0xA840] =	vst v0  }
0x22: {  	[tilespmem:s14+$0xA850] =	vst v0  }
0x23: {  	[tilespmem:s14+$0xA860] =	vst v0;
	s14 =	sshra.s32 s15, $0x2;
	s15 =	sadd.s32 $0x200, s15  }
0x24: {  	[tilespmem:s14+$0xA870] =	vst v0  }
0x25: {  	[tilespmem:s14+$0xA800] =	vst v0  }
0x26: {  	[tilespmem:s14+$0xA810] =	vst v0  }
0x27: {  	[tilespmem:s14+$0xA820] =	vst v0  }
0x28: {  	[tilespmem:s14+$0xA830] =	vst v0  }
0x29: {  	[tilespmem:s14+$0xA840] =	vst v0  }
0x2a: {  	[tilespmem:s14+$0xA850] =	vst v0  }
0x2b: {  	[tilespmem:s14+$0xA860] =	vst v0  }
0x2c: {  	[spmem:s5] =	stream.linear.scatter [tilespmem:s0], [sflag:$0x3], $0x1000, $0x38;
	[tilespmem:$0x1F800] =	vst v63  }
0x2d: {  	_ =	swait.ge [sflag:s1], $0x1000  }
0x2e: {  	[sflag:s1] =	ssyncset.done $0x0  }
0x2f: {  	s15 =	rddreg [dreg:$0xa];
	[sflag:s1] =	ssyncadd.s32 $0xFFFFF000  }
0x30: {  	[spmem:s15] =	stream.linear.scatter [tilespmem:s0], [sflag:$0x3], $0x1000, $0x38;
	[tilespmem:$0x1F800] =	vst v63  }
0x31: {  	_ =	swait.ge [sflag:s1], $0x1000  }
0x32: {  	[sflag:s1] =	ssyncset.done $0x0  }
0x33: {  	s16 =	rddreg [dreg:$0xb];
	[sflag:s1] =	ssyncadd.s32 $0xFFFFF000  }
0x34: {  	[spmem:s16] =	stream.linear.scatter [tilespmem:s0], [sflag:$0x3], $0x1000, $0x38;
	[tilespmem:$0x1F800] =	vst v63  }
0x35: {  	_ =	swait.ge [sflag:s1], $0x1000  }
0x36: {  	[sflag:s1] =	ssyncset.done $0x0  }
0x37: {  	s15 =	rddreg [dreg:$0xc];
	[sflag:s1] =	ssyncadd.s32 $0xFFFFF000  }
0x38: {  	[spmem:s15] =	stream.linear.scatter [tilespmem:s0], [sflag:$0x3], $0x1000, $0x38;
	[tilespmem:$0x1F800] =	vst v63  }
0x39: {  	_ =	swait.ge [sflag:s1], $0x1000  }
0x3a: {  	[sflag:s1] =	ssyncset.done $0x0  }
0x3b: {  	s16 =	rddreg [dreg:$0xd];
	[sflag:s1] =	ssyncadd.s32 $0xFFFFF000  }
0x3c: {  	[spmem:s16] =	stream.linear.scatter [tilespmem:s0], [sflag:$0x3], $0x1000, $0x38;
	[tilespmem:$0x1F800] =	vst v63  }
0x3d: {  	_ =	swait.ge [sflag:s1], $0x1000  }
0x3e: {  	[sflag:s1] =	ssyncset.done $0x0  }
0x3f: {  	s15 =	rddreg [dreg:$0xe];
	[sflag:s1] =	ssyncadd.s32 $0xFFFFF000  }
0x40: {  	[spmem:s15] =	stream.linear.scatter [tilespmem:s0], [sflag:$0x3], $0x1000, $0x38;
	[tilespmem:$0x1F800] =	vst v63  }
0x41: {  	_ =	swait.ge [sflag:s1], $0x1000  }
0x42: {  	[sflag:s1] =	ssyncset.done $0x0  }
0x43: {  	[sflag:s1] =	ssyncadd.s32 $0xFFFFF000  }
0x44: {  	[spmem:s17] =	stream.linear.scatter [tilespmem:s0], [sflag:$0x3], $0x1000, $0x38;
	[tilespmem:$0x1F800] =	vst v63  }
0x45: {  	_ =	swait.ge [sflag:s1], $0x1000  }
0x46: {  	[sflag:s1] =	ssyncset.done $0x0  }
0x47: {  	[sflag:s1] =	ssyncadd.s32 $0xFFFFF000  }
0x48: {  	[spmem:s18] =	stream.linear.scatter [tilespmem:s0], [sflag:$0x3], $0x1000, $0x38;
	[tilespmem:$0x1F800] =	vst v63  }
0x49: {  	_ =	swait.ge [sflag:s1], $0x1000  }
0x4a: {  	[sflag:s1] =	ssyncset.done $0x0  }
0x4b: {  	[sflag:s1] =	ssyncadd.s32 $0xFFFFF000  }
0x4c: {  	[spmem:s19] =	stream.linear.scatter [tilespmem:s0], [sflag:$0x3], $0x1000, $0x38;
	[tilespmem:$0x1F800] =	vst v63  }
0x4d: {  	_ =	swait.ge [sflag:s1], $0x1000  }
0x4e: {  	[sflag:s1] =	ssyncset.done $0x0  }
0x4f: {  	[sflag:s1] =	ssyncadd.s32 $0xFFFFF000  }
0x50: {  	[spmem:s20] =	stream.linear.scatter [tilespmem:s0], [sflag:$0x3], $0x1000, $0x38;
	[tilespmem:$0x1F800] =	vst v63  }
0x51: {  	_ =	swait.ge [sflag:s1], $0x1000  }
0x52: {  	[sflag:s1] =	ssyncset.done $0x0  }
0x53: {  	[sflag:s1] =	ssyncadd.s32 $0xFFFFF000  }
0x54: {  	[spmem:s21] =	stream.linear.scatter [tilespmem:s0], [sflag:$0x3], $0x1000, $0x38;
	[tilespmem:$0x1F800] =	vst v63  }
0x55: {  	_ =	swait.ge [sflag:s1], $0x1000  }
0x56: {  	[sflag:s1] =	ssyncset.done $0x0  }
0x57: {  	[sflag:s1] =	ssyncadd.s32 $0xFFFFF000  }
0x58: {  	[spmem:s22] =	stream.linear.scatter [tilespmem:s0], [sflag:$0x3], $0x1000, $0x38;
	[tilespmem:$0x1F800] =	vst v63  }
0x59: {  	_ =	swait.ge [sflag:s1], $0x1000  }
0x5a: {  	[sflag:s1] =	ssyncset.done $0x0  }
0x5b: {  	[sflag:s1] =	ssyncadd.s32 $0xFFFFF000  }
0x5c: {  	[spmem:s23] =	stream.linear.scatter [tilespmem:s0], [sflag:$0x3], $0x1000, $0x38;
	[tilespmem:$0x1F800] =	vst v63  }
0x5d: {  	_ =	swait.ge [sflag:s1], $0x1000  }
0x5e: {  	[sflag:s1] =	ssyncset.done $0x0  }
0x5f: {  	[sflag:s1] =	ssyncadd.s32 $0xFFFFF000  }
0x60: {  	[spmem:s24] =	stream.linear.scatter [tilespmem:s0], [sflag:$0x3], $0x1000, $0x38;
	[tilespmem:$0x1F800] =	vst v63  }
0x61: {  	_ =	swait.ge [sflag:s1], $0x1000  }
0x62: {  	[sflag:s1] =	ssyncset.done $0x0  }
0x63: {  	[sflag:s1] =	ssyncadd.s32 $0xFFFFF000  }
0x64: {  	[spmem:s25] =	stream.linear.scatter [tilespmem:s0], [sflag:$0x3], $0x1000, $0x38;
	[tilespmem:$0x1F800] =	vst v63  }
0x65: {  	_ =	swait.ge [sflag:s1], $0x1000  }
0x66: {  	[sflag:s1] =	ssyncset.done $0x0  }
0x67: {  	[sflag:s1] =	ssyncadd.s32 $0xFFFFF000  }
0x68: {  	[spmem:s26] =	stream.linear.scatter [tilespmem:s0], [sflag:$0x3], $0x1000, $0x38;
	[tilespmem:$0x1F800] =	vst v63  }
0x69: {  	_ =	swait.ge [sflag:s1], $0x1000  }
0x6a: {  	[sflag:s1] =	ssyncset.done $0x0  }
0x6b: {  	[sflag:s1] =	ssyncadd.s32 $0xFFFFF000  }
0x6c: {  	[spmem:s28] =	stream.linear.scatter [tilespmem:s0], [sflag:$0x3], $0x1000, $0x38;
	[tilespmem:$0x1F800] =	vst v63  }
0x6d: {  	_ =	swait.ge [sflag:s1], $0x1000  }
0x6e: {  	[sflag:s1] =	ssyncset.done $0x0  }
0x6f: {  	[sflag:s1] =	ssyncadd.s32 $0xFFFFF000  }
0x70: {  	[spmem:s29] =	stream.linear.scatter [tilespmem:s0], [sflag:$0x3], $0x1000, $0x38;
	[tilespmem:$0x1F800] =	vst v63  }
0x71: {  	_ =	swait.ge [sflag:s1], $0x1000  }
0x72: {  	[sflag:s1] =	ssyncset.done $0x0  }
0x73: {  	[sflag:s1] =	ssyncadd.s32 $0xFFFFF000  }
0x74: {  	[spmem:s30] =	stream.linear.scatter [tilespmem:s0], [sflag:$0x3], $0x1000, $0x38;
	[tilespmem:$0x1F800] =	vst v63  }
0x75: {  	_ =	swait.ge [sflag:s1], $0x1000  }
0x76: {  	[sflag:s1] =	ssyncset.done $0x0  }
0x77: {  	[sflag:s1] =	ssyncadd.s32 $0xFFFFF000  }
0x78: {  	[spmem:s31] =	stream.linear.scatter [tilespmem:s0], [sflag:$0x3], $0x1000, $0x38;
	[tilespmem:$0x1F800] =	vst v63  }
0x79: {  	_ =	swait.ge [sflag:s1], $0x1000  }
0x7a: {  	[sflag:s1] =	ssyncset.done $0x0  }
0x7b: {  	[sflag:s1] =	ssyncadd.s32 $0xFFFFF000  }
0x7c: {  	[bflag:$0x0] =	sbarrier.arrive $0xFFFF  }
0x7d: {  	s14 =	simm.s32 $0x0;
	s15 =	rddreg [dreg:$0x4]  }
0x7e: {  	[tilespmem:s14], [sflag:$0x3] =	stream.linear.gather [hbm4b:s15+s14], $0x1400, $0x38;
	[tilespmem:$0x1F800] =	vst v63  }
0x7f: {  	_ =	swait.ge [sflag:s1], $0x1400  }
0x80: {  	[sflag:s1] =	ssyncset.done $0x0  }
0x81: {  	s16 =	rddreg [dreg:$0x5];
	[sflag:s1] =	ssyncadd.s32 $0xFFFFEC00  }
0x82: {  	[tilespmem:s6], [sflag:$0x3] =	stream.linear.gather [hbm4b:s16+s14], $0x1400, $0x38;
	[tilespmem:$0x1F800] =	vst v63  }
0x83: {  	_ =	swait.ge [sflag:s1], $0x1400  }
0x84: {  	[sflag:s1] =	ssyncset.done $0x0  }
0x85: {  	[sflag:s1] =	ssyncadd.s32 $0xFFFFEC00  }
0x86: {  	[tilespmem:s8], [sflag:$0x1] =	stream.indirect.gather [hbm4b:s4+s7], $0x80, s14, s7, $0xb8;
	[tilespmem:$0x1F800] =	vst v63  }
0x87: {  	_ = 	snop  }
0x88: {  	[tilespmem:s9], [sflag:$0x2] =	stream.indirect.gather [hbm4b:s4+s7], $0x80, s7, s7, $0xb8;
	[tilespmem:$0x1F800] =	vst v63  }
0x89: {  	_ =	swait.ge [sflag:s10], $0x4000  }
0x8a: {  	[sflag:s10] =	ssyncset.done $0x0  }
0x8b: {  	s16 =	simm.s32 $0x1400;
	[sflag:s10] =	ssyncadd.s32 $0xFFFFC000  }
0x8c: {  	[spmem:s2] =	stream.indirect.scatter.add.f32 [tilespmem:s8], [sflag:$0x3], $0x80, s16, s7, $0xb8;
	[tilespmem:$0x1F800] =	vst v63  }
0x8d: {  	_ =	swait.ge [sflag:s1], $0x4000  }
0x8e: {  	[sflag:s1] =	ssyncset.done $0x0  }
0x8f: {  	s15 =	simm.s32 $0x100;
	[sflag:s1] =	ssyncadd.s32 $0xFFFFC000  }
0x90: {  	[tilespmem:s8], [sflag:$0x1] =	stream.indirect.gather [hbm4b:s4+s7], $0x80, s15, s7, $0xb8;
	[tilespmem:$0x1F800] =	vst v63  }
0x91: {  	_ =	swait.ge [sflag:s11], $0x4000  }
0x92: {  	[sflag:s11] =	ssyncset.done $0x0  }
0x93: {  	s16 =	simm.s32 $0x1480;
	[sflag:s11] =	ssyncadd.s32 $0xFFFFC000  }
0x94: {  	[spmem:s2] =	stream.indirect.scatter.add.f32 [tilespmem:s9], [sflag:$0x3], $0x80, s16, s7, $0xb8;
	[tilespmem:$0x1F800] =	vst v63  }
0x95: {  	_ =	swait.ge [sflag:s1], $0x4000  }
0x96: {  	[sflag:s1] =	ssyncset.done $0x0  }
0x97: {  	s14 =	simm.s32 $0x400;
	s15 =	simm.s32 $0x180;
	[sflag:s1] =	ssyncadd.s32 $0xFFFFC000  }
.LBB2_4:
0x98: {  	[tilespmem:s9], [sflag:$0x2] =	stream.indirect.gather [hbm4b:s4+s7], $0x80, s15, s7, $0xb8;
	[tilespmem:$0x1F800] =	vst v63  }
0x99: {  	s15 =	smov.u32 s14  }
0x9a: {  	p0 =	sne.s32 s14, $0x4800;
	s14 =	sadd.s32 $0x400, s14;
	_ =	swait.ge [sflag:s10], $0x4000  }
0x9b: {  	s15 =	sshra.s32 s15, $0x2;
	[sflag:s10] =	ssyncset.done $0x0  }
0x9c: {  	s16 =	sadd.s32 $0x1400, s15;
	[sflag:s10] =	ssyncadd.s32 $0xFFFFC000  }
0x9d: {  	[spmem:s2] =	stream.indirect.scatter.add.f32 [tilespmem:s8], [sflag:$0x3], $0x80, s16, s7, $0xb8;
	[tilespmem:$0x1F800] =	vst v63  }
0x9e: {  	_ =	swait.ge [sflag:s1], $0x4000  }
0x9f: {  	[sflag:s1] =	ssyncset.done $0x0  }
0xa0: {  	s16 =	sadd.s32 $0x100, s15;
	[sflag:s1] =	ssyncadd.s32 $0xFFFFC000  }
0xa1: {  	[tilespmem:s8], [sflag:$0x1] =	stream.indirect.gather [hbm4b:s4+s7], $0x80, s16, s7, $0xb8;
	[tilespmem:$0x1F800] =	vst v63  }
0xa2: {  	_ =	swait.ge [sflag:s11], $0x4000  }
0xa3: {  	[sflag:s11] =	ssyncset.done $0x0  }
.Ltmp1:
0xa4: {  	s16 =	sadd.s32 $0x1480, s15;
	[sflag:s11] =	ssyncadd.s32 $0xFFFFC000;
	(pc) =	sbr.rel @p0 .LBB2_4-.Ltmp1, $4  }
0xa5: {  	[spmem:s2] =	stream.indirect.scatter.add.f32 [tilespmem:s9], [sflag:$0x3], $0x80, s16, s7, $0xb8;
	[tilespmem:$0x1F800] =	vst v63  }
0xa6: {  	_ =	swait.ge [sflag:s1], $0x4000  }
0xa7: {  	[sflag:s1] =	ssyncset.done $0x0  }
0xa8: {  	s15 =	sadd.s32 $0x180, s15;
	[sflag:s1] =	ssyncadd.s32 $0xFFFFC000  }
0xa9: {  	[tilespmem:s9], [sflag:$0x2] =	stream.indirect.gather [hbm4b:s4+s7], $0x80, s15, s7, $0xb8;
	[tilespmem:$0x1F800] =	vst v63  }
0xaa: {  	_ =	swait.ge [sflag:s10], $0x4000  }
0xab: {  	[sflag:s10] =	ssyncset.done $0x0  }
0xac: {  	[sflag:s10] =	ssyncadd.s32 $0xFFFFC000  }
0xad: {  	[spmem:s2] =	stream.indirect.scatter.add.f32 [tilespmem:s8], [sflag:$0x3], $0x80, s12, s7, $0xb8;
	[tilespmem:$0x1F800] =	vst v63  }
0xae: {  	_ =	swait.ge [sflag:s1], $0x4000  }
0xaf: {  	[sflag:s1] =	ssyncset.done $0x0  }
0xb0: {  	[sflag:s1] =	ssyncadd.s32 $0xFFFFC000  }
0xb1: {  	_ =	swait.ge [sflag:s11], $0x4000  }
0xb2: {  	[sflag:s11] =	ssyncset.done $0x0  }
0xb3: {  	[sflag:s11] =	ssyncadd.s32 $0xFFFFC000  }
0xb4: {  	[spmem:s2] =	stream.indirect.scatter.add.f32 [tilespmem:s9], [sflag:$0x3], $0x80, s13, s7, $0xb8;
	[tilespmem:$0x1F800] =	vst v63  }
0xb5: {  	_ =	swait.ge [sflag:s1], $0x4000  }
0xb6: {  	[sflag:s1] =	ssyncset.done $0x0  }
0xb7: {  	s14 =	simm.s32 $0x0;
	s16 =	rddreg [dreg:$0x6];
	[sflag:s1] =	ssyncadd.s32 $0xFFFFC000  }
0xb8: {  	[tilespmem:s14], [sflag:$0x3] =	stream.linear.gather [hbm4b:s16+s14], $0x1400, $0x38;
	[tilespmem:$0x1F800] =	vst v63  }
0xb9: {  	_ =	swait.ge [sflag:s1], $0x1400  }
0xba: {  	[sflag:s1] =	ssyncset.done $0x0  }
0xbb: {  	s16 =	rddreg [dreg:$0x7];
	[sflag:s1] =	ssyncadd.s32 $0xFFFFEC00  }
0xbc: {  	[tilespmem:s6], [sflag:$0x3] =	stream.linear.gather [hbm4b:s16+s14], $0x1400, $0x38;
	[tilespmem:$0x1F800] =	vst v63  }
0xbd: {  	_ =	swait.ge [sflag:s1], $0x1400  }
0xbe: {  	[sflag:s1] =	ssyncset.done $0x0  }
0xbf: {  	[sflag:s1] =	ssyncadd.s32 $0xFFFFEC00  }
0xc0: {  	[tilespmem:s8], [sflag:$0x1] =	stream.indirect.gather [hbm4b:s4+s7], $0x80, s14, s7, $0xb8;
	[tilespmem:$0x1F800] =	vst v63  }
0xc1: {  	_ = 	snop  }
0xc2: {  	[tilespmem:s9], [sflag:$0x2] =	stream.indirect.gather [hbm4b:s4+s7], $0x80, s7, s7, $0xb8;
	[tilespmem:$0x1F800] =	vst v63  }
0xc3: {  	_ =	swait.ge [sflag:s10], $0x4000  }
0xc4: {  	[sflag:s10] =	ssyncset.done $0x0  }
0xc5: {  	s16 =	simm.s32 $0x1400;
	[sflag:s10] =	ssyncadd.s32 $0xFFFFC000  }
0xc6: {  	[spmem:s2] =	stream.indirect.scatter.add.f32 [tilespmem:s8], [sflag:$0x3], $0x80, s16, s7, $0xb8;
	[tilespmem:$0x1F800] =	vst v63  }
0xc7: {  	_ =	swait.ge [sflag:s1], $0x4000  }
0xc8: {  	[sflag:s1] =	ssyncset.done $0x0  }
0xc9: {  	s15 =	simm.s32 $0x100;
	[sflag:s1] =	ssyncadd.s32 $0xFFFFC000  }
0xca: {  	[tilespmem:s8], [sflag:$0x1] =	stream.indirect.gather [hbm4b:s4+s7], $0x80, s15, s7, $0xb8;
	[tilespmem:$0x1F800] =	vst v63  }
0xcb: {  	_ =	swait.ge [sflag:s11], $0x4000  }
0xcc: {  	[sflag:s11] =	ssyncset.done $0x0  }
0xcd: {  	s16 =	simm.s32 $0x1480;
	[sflag:s11] =	ssyncadd.s32 $0xFFFFC000  }
0xce: {  	[spmem:s2] =	stream.indirect.scatter.add.f32 [tilespmem:s9], [sflag:$0x3], $0x80, s16, s7, $0xb8;
	[tilespmem:$0x1F800] =	vst v63  }
0xcf: {  	_ =	swait.ge [sflag:s1], $0x4000  }
0xd0: {  	[sflag:s1] =	ssyncset.done $0x0  }
0xd1: {  	s14 =	simm.s32 $0x400;
	s15 =	simm.s32 $0x180;
	[sflag:s1] =	ssyncadd.s32 $0xFFFFC000  }
.LBB2_6:
0xd2: {  	[tilespmem:s9], [sflag:$0x2] =	stream.indirect.gather [hbm4b:s4+s7], $0x80, s15, s7, $0xb8;
	[tilespmem:$0x1F800] =	vst v63  }
0xd3: {  	s15 =	smov.u32 s14  }
0xd4: {  	p0 =	sne.s32 s14, $0x4800;
	s14 =	sadd.s32 $0x400, s14;
	_ =	swait.ge [sflag:s10], $0x4000  }
0xd5: {  	s15 =	sshra.s32 s15, $0x2;
	[sflag:s10] =	ssyncset.done $0x0  }
0xd6: {  	s16 =	sadd.s32 $0x1400, s15;
	[sflag:s10] =	ssyncadd.s32 $0xFFFFC000  }
0xd7: {  	[spmem:s2] =	stream.indirect.scatter.add.f32 [tilespmem:s8], [sflag:$0x3], $0x80, s16, s7, $0xb8;
	[tilespmem:$0x1F800] =	vst v63  }
0xd8: {  	_ =	swait.ge [sflag:s1], $0x4000  }
0xd9: {  	[sflag:s1] =	ssyncset.done $0x0  }
0xda: {  	s16 =	sadd.s32 $0x100, s15;
	[sflag:s1] =	ssyncadd.s32 $0xFFFFC000  }
0xdb: {  	[tilespmem:s8], [sflag:$0x1] =	stream.indirect.gather [hbm4b:s4+s7], $0x80, s16, s7, $0xb8;
	[tilespmem:$0x1F800] =	vst v63  }
0xdc: {  	_ =	swait.ge [sflag:s11], $0x4000  }
0xdd: {  	[sflag:s11] =	ssyncset.done $0x0  }
.Ltmp2:
0xde: {  	s16 =	sadd.s32 $0x1480, s15;
	[sflag:s11] =	ssyncadd.s32 $0xFFFFC000;
	(pc) =	sbr.rel @p0 .LBB2_6-.Ltmp2, $4  }
0xdf: {  	[spmem:s2] =	stream.indirect.scatter.add.f32 [tilespmem:s9], [sflag:$0x3], $0x80, s16, s7, $0xb8;
	[tilespmem:$0x1F800] =	vst v63  }
0xe0: {  	_ =	swait.ge [sflag:s1], $0x4000  }
0xe1: {  	[sflag:s1] =	ssyncset.done $0x0  }
0xe2: {  	s15 =	sadd.s32 $0x180, s15;
	[sflag:s1] =	ssyncadd.s32 $0xFFFFC000  }
0xe3: {  	[tilespmem:s9], [sflag:$0x2] =	stream.indirect.gather [hbm4b:s4+s7], $0x80, s15, s7, $0xb8;
	[tilespmem:$0x1F800] =	vst v63  }
0xe4: {  	_ =	swait.ge [sflag:s10], $0x4000  }
0xe5: {  	[sflag:s10] =	ssyncset.done $0x0  }
0xe6: {  	[sflag:s10] =	ssyncadd.s32 $0xFFFFC000  }
0xe7: {  	[spmem:s2] =	stream.indirect.scatter.add.f32 [tilespmem:s8], [sflag:$0x3], $0x80, s12, s7, $0xb8;
	[tilespmem:$0x1F800] =	vst v63  }
0xe8: {  	_ =	swait.ge [sflag:s1], $0x4000  }
0xe9: {  	[sflag:s1] =	ssyncset.done $0x0  }
0xea: {  	[sflag:s1] =	ssyncadd.s32 $0xFFFFC000  }
0xeb: {  	_ =	swait.ge [sflag:s11], $0x4000  }
0xec: {  	[sflag:s11] =	ssyncset.done $0x0  }
0xed: {  	[sflag:s11] =	ssyncadd.s32 $0xFFFFC000  }
0xee: {  	[spmem:s2] =	stream.indirect.scatter.add.f32 [tilespmem:s9], [sflag:$0x3], $0x80, s13, s7, $0xb8;
	[tilespmem:$0x1F800] =	vst v63  }
0xef: {  	_ =	swait.ge [sflag:s1], $0x4000  }
0xf0: {  	[sflag:s1] =	ssyncset.done $0x0  }
0xf1: {  	s14 =	stileid.u32;
	[sflag:s1] =	ssyncadd.s32 $0xFFFFC000  }
0xf2: {  	s14 =	sshll.u32 s14, $0x6;
	[bflag:$0x0] =	sbarrier.arrive $0xFFFF  }
0xf3: {  	s15 =	sshrl.u32 s5, $0x3;
	s14 =	sor.u32 $0x1C03, s14;
	s16 =	rddreg [dreg:$0x8]  }
0xf4: {  	[hbm:s16], [sflag:s14] =	dma.local [spmem:s15], $0x2800  }
0xf5: {  	_ =	swait.ge [sflag:s1], $0x2800  }
0xf6: {  	s3 =	sadd.s32 $0x1, s3;
	s16 =	rddreg [dreg:$0x9]  }
0xf7: {  	p0 =	sne.s32 s3, s16  }
.Ltmp3:
0xf8: {  	_ = 	snop;
	(pc) =	sbr.rel @p0 .LBB2_1-.Ltmp3, $3  }
0xf9: {  	_ =	sdelay $0x1  }
0xfa: {  	[sflag:s1] =	ssyncset.done $0x0  }
0xfb: {  	[sflag:s1] =	ssyncadd.s32 $0xFFFFD800  }
0xfc: {  	_ =	sfence.sel $0x180000  }
0xfd: {  	[bflag:$0x0] =	sbarrier.arrive $0xFFFF  }
0xfe: {  	_ =	strace $0x9000004A  }
0xff: {  	s0 =	stileid.u32;
	[bflag:$0x2] =	sbarrier.arrive $0xFFFF  }
0x100: {  	p0 =	sne.s32 s0, $0x0;
	s0 =	rddreg [dreg:$0x3]  }
0x101: {  	s0 =	sadd.s32 @!p0 $0x100000, s0  }
0x102: {  	[sflag:s0] =	ssyncadd.tile.s32 @!p0 $0x1;
	_ =	shalt  }
.Lfunc_end2:
_tile_overlayer_lowered:
.L_overlay_start_2:
0x103: {  	(tag) =	ssettag $0x2  }
0x104: {  	s0 =	rddreg [dreg:$0x0];
	s2 =	stileid.u32  }
0x105: {  	s1 =	rddreg [dreg:$0x1];
	p0 =	sne.s32 s2, $0x0  }
0x106: {  	s3 =	rddreg [dreg:$0x2];
	[bflag:$0x3] =	sbarrier.arrive $0xFFFF;
	s2 =	simm.s32 @!p0 $0x1C03  }
0x107: {  	[timem:s3], [sflag:s2] =	dma.local @!p0 [hbm:s0], s1  }
0x108: {  	s0 =	simm.s32 @!p0 $0x3  }
0x109: {  	_ =	swait.ge @!p0 [sflag:s0], s1  }
0x10a: {  	s1 =	ssub.s32 @!p0 $0x0, s1;
	[sflag:s0] =	ssyncset.done @!p0 $0x0  }
0x10b: {  	[sflag:s0] =	ssyncadd.s32 @!p0 s1  }
0x10c: {  	[bflag:$0x3] =	sbarrier.arrive $0xFFFF  }
0x10d: {  	_ =	shalt  }

</sc_bundles>
